<compile_context>
chip_gen: v7x
topology: tpu7x:2x2x1
jax: 0.10.2.dev20260603
libtpu: 0.0.44.dev20260713+nightly
codegen_flags: <defaults>
</compile_context>

<pallas_src>
import functools

import jax
import jax.numpy as jnp
from jax import lax
from jax.experimental import pallas as pl
from jax.experimental.pallas import tpu as pltpu
from jax.experimental.pallas import tpu_sc as plsc

_B = 8
_N = 64
_NN = _N * _N
_P = _B // 2
_XL = 2 * _N
_OFFS = ((-1, -1), (-1, 0), (-1, 1), (0, -1), (0, 1), (1, -1), (1, 0), (1, 1))


def _dist_pred_kernel(w_ref, pred_ref):
    w8 = w_ref[...].reshape(_P, 2, _N, _N)
    w = jnp.concatenate([w8[:, 0], w8[:, 1]], axis=2)
    inf = jnp.float32(jnp.inf)
    shape = (_P, _N, _XL)
    yi = lax.broadcasted_iota(jnp.int32, shape, 1)
    xi = lax.broadcasted_iota(jnp.int32, shape, 2)
    xm = xi & (_N - 1)
    flat = yi * _N + xm
    take_xp = xm != _N - 1
    take_xn = xm != 0
    take_yp = yi != _N - 1
    take_yn = yi != 0

    dist0 = jnp.where(flat == 0, jnp.float32(0.0), inf)

    def box9(d):
        h = jnp.minimum(d, jnp.where(take_xp, jnp.roll(d, -1, axis=2), inf))
        h = jnp.minimum(h, jnp.where(take_xn, jnp.roll(d, 1, axis=2), inf))
        v = jnp.minimum(h, jnp.where(take_yp, jnp.roll(h, -1, axis=1), inf))
        v = jnp.minimum(v, jnp.where(take_yn, jnp.roll(h, 1, axis=1), inf))
        return v

    def bf_cond(c):
        _, changed, it = c
        return jnp.logical_and(changed, it < _NN)

    def bf_body(c):
        dist, _, it = c
        nd = dist
        for _u in range(8):
            nd = jnp.minimum(nd, box9(nd) + w)
        changed = jnp.any(nd < dist)
        return (nd, changed, it + 8)

    dist, _, _ = lax.while_loop(bf_cond, bf_body,
                                (dist0, jnp.bool_(True), jnp.int32(0)))

    best = jnp.full(shape, inf, jnp.float32)
    off = jnp.zeros(shape, jnp.int32)
    for dy, dx in _OFFS:
        s = dist
        if dy:
            s = jnp.roll(s, -dy, axis=1)
        if dx:
            s = jnp.roll(s, -dx, axis=2)
        valid = ((yi + dy >= 0) & (yi + dy <= _N - 1)
                 & (xm + dx >= 0) & (xm + dx <= _N - 1))
        nd = jnp.where(valid, s, inf)
        take = nd < best
        off = jnp.where(take, jnp.int32(dy * _N + dx), off)
        best = jnp.minimum(best, nd)
    packed = jnp.where(flat == 0, 0, flat + off)
    pred_ref[...] = jnp.stack(
        [packed[:, :, :_N], packed[:, :, _N:]], axis=1).reshape(_B, _N, _N)


def _backtrack_tec(pred_hbm, path_hbm, pred_v, path_v, cur_s):
    wid = lax.axis_index("s") * 2 + lax.axis_index("c")

    @pl.when(wid < _B)
    def _():
        b = wid
        pltpu.sync_copy(pred_hbm.at[b], pred_v.at[pl.ds(0, _NN)])

        zeros16 = jnp.zeros((16,), jnp.float32)

        def zbody(i, _):
            path_v[pl.ds(i * 16, 16)] = zeros16
            return 0

        lax.fori_loop(0, _NN // 16, zbody, 0)

        lanes = lax.iota(jnp.int32, 16)

        def mark(cell):
            vec = path_v[pl.ds(cell, 16)]
            path_v[pl.ds(cell, 16)] = jnp.where(lanes == 0,
                                                jnp.float32(1.0), vec)

        mark(jnp.int32(_NN - 1))

        cur_s[0] = jnp.int32(_NN - 1)

        def chunk(i, t):
            c = cur_s[0]

            @pl.when(c != 0)
            def _():
                def step(j, cur):
                    nxt = pred_v[pl.ds(cur, 16)][0]
                    mark(nxt)
                    return nxt

                cur_s[0] = lax.fori_loop(0, 128, step, c)

            return t

        lax.fori_loop(0, _NN // 128, chunk, 0)
        pltpu.sync_copy(path_v.at[pl.ds(0, _NN)], path_hbm.at[b])


@functools.cache
def _backtrack_sc():
    return pl.kernel(
        _backtrack_tec,
        out_type=jax.ShapeDtypeStruct((_B, _NN), jnp.float32),
        mesh=plsc.VectorSubcoreMesh(core_axis_name="c", subcore_axis_name="s"),
        scratch_types=[
            pltpu.VMEM((_NN + 16,), jnp.int32),
            pltpu.VMEM((_NN + 16,), jnp.float32),
            pltpu.SMEM((1,), jnp.int32),
        ],
    )


def kernel(weights):
    pred = pl.pallas_call(
        _dist_pred_kernel,
        out_shape=jax.ShapeDtypeStruct((_B, _N, _N), jnp.int32),
    )(weights)
    path = _backtrack_sc()(pred.reshape(_B, _NN))
    return path.reshape(_B, _N, _N)

# --- scband reference (transcript-rebuilt; emitter-appended) ---
"""Pipeline reference for scband-dijkstra-grid-solver-45320494907667 (READ-ONLY COPY).

The authoritative reference and input builder live on the scoring server;
editing this copy changes nothing except your own understanding.
"""

import jax, jax.numpy as jnp
import numpy as np
from jax import lax

_DIRS = [(-1, 0), (1, 0), (0, -1), (0, 1), (-1, -1), (-1, 1), (1, -1), (1, 1)]


def _solve_single(w):
    n = w.shape[0]
    dist0 = jnp.full((n, n), jnp.inf, dtype=jnp.float32).at[0, 0].set(0.0)
    visited0 = jnp.zeros((n, n), dtype=bool)
    pred0 = jnp.zeros((n, n, 2), dtype=jnp.int32)

    def cond(state):
        dist, visited, pred, done, it = state
        return jnp.logical_and(jnp.logical_not(done), it < n * n)

    def body(state):
        dist, visited, pred, done, it = state
        ud = jnp.where(visited, jnp.inf, dist)
        cur = jnp.argmin(ud.reshape(-1))
        cy = cur // n
        cx = cur % n
        reached = jnp.logical_and(cy == n - 1, cx == n - 1)
        visited2 = visited.at[cy, cx].set(True)
        dcur = dist[cy, cx]
        nd_dist = dist
        nd_pred = pred
        for dy, dx in _DIRS:
            ny = cy + dy
            nx = cx + dx
            valid = (ny >= 0) & (ny < n) & (nx >= 0) & (nx < n)
            nyc = jnp.clip(ny, 0, n - 1)
            nxc = jnp.clip(nx, 0, n - 1)
            cand = dcur + w[nyc, nxc]
            upd = valid & (cand < nd_dist[nyc, nxc]) & jnp.logical_not(visited2[nyc, nxc])
            nd_dist = nd_dist.at[nyc, nxc].set(jnp.where(upd, cand, nd_dist[nyc, nxc]))
            nd_pred = nd_pred.at[nyc, nxc, 0].set(jnp.where(upd, cy.astype(jnp.int32), nd_pred[nyc, nxc, 0]))
            nd_pred = nd_pred.at[nyc, nxc, 1].set(jnp.where(upd, cx.astype(jnp.int32), nd_pred[nyc, nxc, 1]))
        dist_o = jnp.where(reached, dist, nd_dist)
        vis_o = jnp.where(reached, visited, visited2)
        pred_o = jnp.where(reached, pred, nd_pred)
        return (dist_o, vis_o, pred_o, jnp.logical_or(done, reached), it + 1)

    init = (dist0, visited0, pred0, jnp.array(False), jnp.array(0))
    dist, visited, pred, done, it = lax.while_loop(cond, body, init)

    path0 = jnp.zeros((n, n), dtype=jnp.float32).at[n - 1, n - 1].set(1.0)

    def bcond(s):
        path, cy, cx = s
        return jnp.logical_or(cy != 0, cx != 0)

    def bbody(s):
        path, cy, cx = s
        py = pred[cy, cx, 0]
        px = pred[cy, cx, 1]
        path = path.at[py, px].set(1.0)
        return (path, py, px)

    path, _, _ = lax.while_loop(bcond, bbody, (path0, jnp.int32(n - 1), jnp.int32(n - 1)))
    return path


def setup_inputs(seed: int = 0) -> dict:
    key = jax.random.key(seed)
    weights = jax.random.uniform(key, (8, 64, 64), dtype=jnp.float32)
    return {"weights": weights}


def reference(weights):
    return jax.vmap(_solve_single)(weights)

if __name__ == "__main__":
    import jax
    _d = setup_inputs()
    print(jax.jit(kernel)(*tuple(_d.values())))

</pallas_src>

<mosaic_0001>
#map = affine_map<(d0, d1) -> (0, 0)>
module attributes {stable_mosaic.version = 14 : i64} {
  func.func @_backtrack_tec(%arg0: i32, %arg1: i32, %arg2: memref<8x4096xi32, #tpu.memory_space<hbm>>, %arg3: memref<8x4096xf32, #tpu.memory_space<hbm>>, %arg4: memref<4112xi32, #tpu.memory_space<vmem>>, %arg5: memref<4112xf32, #tpu.memory_space<vmem>>, %arg6: memref<1xi32, #tpu.memory_space<smem>>) attributes {dimension_semantics = [#tpu.dimension_semantics<core_parallel>, #tpu.dimension_semantics<subcore_parallel>], iteration_bounds = array<i64: 2, 16>, scalar_prefetch = 0 : i64, scratch_operands = 3 : i64, tpu.core_type = #tpu.core_type<sc_vector_subcore>, window_params = [{transform_indices = #map}, {transform_indices = #map}]} {
    %mul3A = arith.constant 2 : i32
    %mul3A_0 = arith.muli %arg1, %mul3A : i32
    %add3A = arith.addi %mul3A_0, %arg0 : i32
    %lt3A = arith.constant 8 : i32
    %lt3A_1 = arith.cmpi slt, %add3A, %lt3A : i32
    %convert_element_type3A = arith.extui %lt3A_1 : i1 to i32
    %cond3A = arith.constant 0 : i32
    %cond3A_2 = arith.cmpi ne, %convert_element_type3A, %cond3A : i32
    scf.if %cond3A_2 {
      "tpu.region"() ({
        %run_scoped3A = tpu.sem_alloc : memref<!tpu.dma_semaphore, #tpu.memory_space<semaphore_mem>>
        %dma_start3A = arith.constant 0 : i32
        %dma_start3A_30 = tpu.memref_slice %arg4[%dma_start3A] : memref<4112xi32, #tpu.memory_space<vmem>> -> memref<4096xi32, #tpu.memory_space<vmem>>
        %dma_start3A_31 = arith.constant 0 : i32
        %dma_start3A_32 = tpu.memref_slice %arg2[%add3A, %dma_start3A_31] : memref<8x4096xi32, #tpu.memory_space<hbm>> -> memref<1x4096xi32, #tpu.memory_space<hbm>>
        %dma_start3A_33 = tpu.memref_squeeze %dma_start3A_32 : memref<1x4096xi32, #tpu.memory_space<hbm>> -> memref<4096xi32, #tpu.memory_space<hbm>>
        %dma_start3A_34 = arith.constant 0 : i32
        %dma_start3A_35 = tpu.memref_slice %arg4[%dma_start3A_34] : memref<4112xi32, #tpu.memory_space<vmem>> -> memref<4096xi32, #tpu.memory_space<vmem>>
        %dma_start3A_36 = arith.constant 0 : i32
        %dma_start3A_37 = tpu.memref_slice %arg2[%add3A, %dma_start3A_36] : memref<8x4096xi32, #tpu.memory_space<hbm>> -> memref<1x4096xi32, #tpu.memory_space<hbm>>
        %dma_start3A_38 = tpu.memref_squeeze %dma_start3A_37 : memref<1x4096xi32, #tpu.memory_space<hbm>> -> memref<4096xi32, #tpu.memory_space<hbm>>
        tpu.enqueue_dma source(%dma_start3A_38 : memref<4096xi32, #tpu.memory_space<hbm>>) target(%dma_start3A_35 : memref<4096xi32, #tpu.memory_space<vmem>>) target_semaphore(%run_scoped3A : memref<!tpu.dma_semaphore, #tpu.memory_space<semaphore_mem>>)
        %dma_wait3A = arith.constant 0 : i32
        %dma_wait3A_39 = tpu.memref_slice %arg4[%dma_wait3A] : memref<4112xi32, #tpu.memory_space<vmem>> -> memref<4096xi32, #tpu.memory_space<vmem>>
        %dma_wait3A_40 = arith.constant 0 : i32
        %dma_wait3A_41 = tpu.memref_slice %arg2[%add3A, %dma_wait3A_40] : memref<8x4096xi32, #tpu.memory_space<hbm>> -> memref<1x4096xi32, #tpu.memory_space<hbm>>
        %dma_wait3A_42 = tpu.memref_squeeze %dma_wait3A_41 : memref<1x4096xi32, #tpu.memory_space<hbm>> -> memref<4096xi32, #tpu.memory_space<hbm>>
        %dma_wait3A_43 = arith.constant 0 : i32
        %dma_wait3A_44 = tpu.memref_slice %arg4[%dma_wait3A_43] : memref<4112xi32, #tpu.memory_space<vmem>> -> memref<4096xi32, #tpu.memory_space<vmem>>
        %dma_wait3A_45 = arith.constant 0 : i32
        %dma_wait3A_46 = tpu.memref_slice %arg2[%add3A, %dma_wait3A_45] : memref<8x4096xi32, #tpu.memory_space<hbm>> -> memref<1x4096xi32, #tpu.memory_space<hbm>>
        %dma_wait3A_47 = tpu.memref_squeeze %dma_wait3A_46 : memref<1x4096xi32, #tpu.memory_space<hbm>> -> memref<4096xi32, #tpu.memory_space<hbm>>
        tpu.wait_dma2 semaphore(%run_scoped3A : memref<!tpu.dma_semaphore, #tpu.memory_space<semaphore_mem>>) src(%dma_wait3A_47 : memref<4096xi32, #tpu.memory_space<hbm>>) dst(%dma_wait3A_44 : memref<4096xi32, #tpu.memory_space<vmem>>)
        tpu.yield
      }) : () -> ()
      %broadcast_in_dim3A = arith.constant 0.000000e+00 : f32
      %broadcast_in_dim3A_3 = vector.broadcast %broadcast_in_dim3A : f32 to vector<16xf32>
      %scan3A = arith.constant 0 : i32
      %scan3A_4 = arith.constant 0 : i32
      %scan3A_5 = arith.constant 256 : i32
      %scan3A_6 = arith.addi %scan3A_4, %scan3A_5 : i32
      %scan3A_7 = arith.constant 1 : i32
      %scan3A_8 = scf.for %scan3A_30 = %scan3A_4 to %scan3A_6 step %scan3A_7 iter_args(%scan3A_31 = %scan3A) -> (i32)  : i32 {
        %mul3A_32 = arith.constant 16 : i32
        %mul3A_33 = arith.muli %scan3A_30, %mul3A_32 : i32
        %swap3A_34 = arith.index_cast %mul3A_33 : i32 to index
        %swap3A_35 = tpu.vector_load %arg5[%swap3A_34] {strides = array<i32>} : memref<4112xf32, #tpu.memory_space<vmem>>, vector<16xf32>,
        %swap3A_36 = vector.shape_cast %swap3A_35 : vector<16xf32> to vector<16xf32>
        %swap3A_37 = vector.shape_cast %broadcast_in_dim3A_3 : vector<16xf32> to vector<16xf32>
        tpu.vector_store %arg5[%swap3A_34], %swap3A_37 {strides = array<i32>} : memref<4112xf32, #tpu.memory_space<vmem>>, vector<16xf32>,
        %scan3A_38 = arith.constant 0 : i32
        scf.yield %scan3A_38 : i32
      }
      %scan3A_9 = arith.constant 256 : i32
      %iota3A = tpu.iota {dimensions = array<i32: 0>} : vector<16xi32>
      %get3A = arith.constant 4095 : i32
      %get3A_10 = arith.index_cast %get3A : i32 to index
      %get3A_11 = tpu.vector_load %arg5[%get3A_10] {strides = array<i32>} : memref<4112xf32, #tpu.memory_space<vmem>>, vector<16xf32>,
      %get3A_12 = vector.shape_cast %get3A_11 : vector<16xf32> to vector<16xf32>
      %eq3A = arith.constant 0 : i32
      %eq3A_13 = vector.broadcast %eq3A : i32 to vector<16xi32>
      %eq3A_14 = arith.cmpi eq, %iota3A, %eq3A_13 : vector<16xi32>
      %jit3A = arith.constant 1.000000e+00 : f32
      %broadcast_in_dim3A_15 = vector.broadcast %jit3A : f32 to vector<16xf32>
      %select_n3A = arith.select %eq3A_14, %broadcast_in_dim3A_15, %get3A_12 : vector<16xi1>, vector<16xf32>
      %swap3A = arith.constant 4095 : i32
      %swap3A_16 = arith.index_cast %swap3A : i32 to index
      %swap3A_17 = tpu.vector_load %arg5[%swap3A_16] {strides = array<i32>} : memref<4112xf32, #tpu.memory_space<vmem>>, vector<16xf32>,
      %swap3A_18 = vector.shape_cast %swap3A_17 : vector<16xf32> to vector<16xf32>
      %swap3A_19 = vector.shape_cast %select_n3A : vector<16xf32> to vector<16xf32>
      tpu.vector_store %arg5[%swap3A_16], %swap3A_19 {strides = array<i32>} : memref<4112xf32, #tpu.memory_space<vmem>>, vector<16xf32>,
      %swap3A_20 = arith.constant 4095 : i32
      %swap3A_21 = arith.constant 0 : i32
      %swap3A_22 = arith.index_cast %swap3A_21 : i32 to index
      %swap3A_23 = memref.load %arg6[%swap3A_22] : memref<1xi32, #tpu.memory_space<smem>>
      memref.store %swap3A_20, %arg6[%swap3A_22] : memref<1xi32, #tpu.memory_space<smem>>
      %scan3A_24 = arith.constant 0 : i32
      %scan3A_25 = arith.constant 0 : i32
      %scan3A_26 = arith.constant 32 : i32
      %scan3A_27 = arith.addi %scan3A_25, %scan3A_26 : i32
      %scan3A_28 = arith.constant 1 : i32
      scf.for %scan3A_30 = %scan3A_25 to %scan3A_27 step %scan3A_28  : i32 {
        %get3A_31 = arith.constant 0 : i32
        %get3A_32 = arith.index_cast %get3A_31 : i32 to index
        %get3A_33 = memref.load %arg6[%get3A_32] : memref<1xi32, #tpu.memory_space<smem>>
        %ne3A = arith.constant 0 : i32
        %ne3A_34 = arith.cmpi ne, %get3A_33, %ne3A : i32
        %convert_element_type3A_35 = arith.extui %ne3A_34 : i1 to i32
        %cond3A_36 = arith.constant 0 : i32
        %cond3A_37 = arith.cmpi ne, %convert_element_type3A_35, %cond3A_36 : i32
        scf.if %cond3A_37 {
          %scan3A_38 = arith.constant 0 : i32
          %scan3A_39 = arith.constant 128 : i32
          %scan3A_40 = arith.addi %scan3A_38, %scan3A_39 : i32
          %scan3A_41 = arith.constant 1 : i32
          %scan3A_42 = scf.for %scan3A_47 = %scan3A_38 to %scan3A_40 step %scan3A_41 iter_args(%scan3A_48 = %get3A_33) -> (i32)  : i32 {
            %get3A_49 = arith.index_cast %scan3A_48 : i32 to index
            %get3A_50 = tpu.vector_load %arg4[%get3A_49] {strides = array<i32>} : memref<4112xi32, #tpu.memory_space<vmem>>, vector<16xi32>,
            %get3A_51 = vector.shape_cast %get3A_50 : vector<16xi32> to vector<16xi32>
            %slice3A = vector.extract_strided_slice %get3A_51 {offsets = [0], sizes = [1], strides = [1]} : vector<16xi32> to vector<1xi32>
            %squeeze3A = vector.extract %slice3A[0] : i32 from vector<1xi32>
            %get3A_52 = arith.index_cast %squeeze3A : i32 to index
            %get3A_53 = tpu.vector_load %arg5[%get3A_52] {strides = array<i32>} : memref<4112xf32, #tpu.memory_space<vmem>>, vector<16xf32>,
            %get3A_54 = vector.shape_cast %get3A_53 : vector<16xf32> to vector<16xf32>
            %eq3A_55 = arith.constant 0 : i32
            %eq3A_56 = vector.broadcast %eq3A_55 : i32 to vector<16xi32>
            %eq3A_57 = arith.cmpi eq, %iota3A, %eq3A_56 : vector<16xi32>
            %jit3A_58 = arith.constant 1.000000e+00 : f32
            %broadcast_in_dim3A_59 = vector.broadcast %jit3A_58 : f32 to vector<16xf32>
            %select_n3A_60 = arith.select %eq3A_57, %broadcast_in_dim3A_59, %get3A_54 : vector<16xi1>, vector<16xf32>
            %swap3A_61 = arith.index_cast %squeeze3A : i32 to index
            %swap3A_62 = tpu.vector_load %arg5[%swap3A_61] {strides = array<i32>} : memref<4112xf32, #tpu.memory_space<vmem>>, vector<16xf32>,
            %swap3A_63 = vector.shape_cast %swap3A_62 : vector<16xf32> to vector<16xf32>
            %swap3A_64 = vector.shape_cast %select_n3A_60 : vector<16xf32> to vector<16xf32>
            tpu.vector_store %arg5[%swap3A_61], %swap3A_64 {strides = array<i32>} : memref<4112xf32, #tpu.memory_space<vmem>>, vector<16xf32>,
            scf.yield %squeeze3A : i32
          }
          %scan3A_43 = arith.constant 128 : i32
          %swap3A_44 = arith.constant 0 : i32
          %swap3A_45 = arith.index_cast %swap3A_44 : i32 to index
          %swap3A_46 = memref.load %arg6[%swap3A_45] : memref<1xi32, #tpu.memory_space<smem>>
          memref.store %scan3A_42, %arg6[%swap3A_45] : memref<1xi32, #tpu.memory_space<smem>>
        } else {
        }
      }
      %scan3A_29 = arith.constant 32 : i32
      "tpu.region"() ({
        %run_scoped3A = tpu.sem_alloc : memref<!tpu.dma_semaphore, #tpu.memory_space<semaphore_mem>>
        %dma_start3A = arith.constant 0 : i32
        %dma_start3A_30 = tpu.memref_slice %arg5[%dma_start3A] : memref<4112xf32, #tpu.memory_space<vmem>> -> memref<4096xf32, #tpu.memory_space<vmem>>
        %dma_start3A_31 = arith.constant 0 : i32
        %dma_start3A_32 = tpu.memref_slice %arg3[%add3A, %dma_start3A_31] : memref<8x4096xf32, #tpu.memory_space<hbm>> -> memref<1x4096xf32, #tpu.memory_space<hbm>>
        %dma_start3A_33 = tpu.memref_squeeze %dma_start3A_32 : memref<1x4096xf32, #tpu.memory_space<hbm>> -> memref<4096xf32, #tpu.memory_space<hbm>>
        %dma_start3A_34 = arith.constant 0 : i32
        %dma_start3A_35 = tpu.memref_slice %arg3[%add3A, %dma_start3A_34] : memref<8x4096xf32, #tpu.memory_space<hbm>> -> memref<1x4096xf32, #tpu.memory_space<hbm>>
        %dma_start3A_36 = tpu.memref_squeeze %dma_start3A_35 : memref<1x4096xf32, #tpu.memory_space<hbm>> -> memref<4096xf32, #tpu.memory_space<hbm>>
        %dma_start3A_37 = arith.constant 0 : i32
        %dma_start3A_38 = tpu.memref_slice %arg5[%dma_start3A_37] : memref<4112xf32, #tpu.memory_space<vmem>> -> memref<4096xf32, #tpu.memory_space<vmem>>
        tpu.enqueue_dma source(%dma_start3A_38 : memref<4096xf32, #tpu.memory_space<vmem>>) target(%dma_start3A_36 : memref<4096xf32, #tpu.memory_space<hbm>>) target_semaphore(%run_scoped3A : memref<!tpu.dma_semaphore, #tpu.memory_space<semaphore_mem>>)
        %dma_wait3A = arith.constant 0 : i32
        %dma_wait3A_39 = tpu.memref_slice %arg5[%dma_wait3A] : memref<4112xf32, #tpu.memory_space<vmem>> -> memref<4096xf32, #tpu.memory_space<vmem>>
        %dma_wait3A_40 = arith.constant 0 : i32
        %dma_wait3A_41 = tpu.memref_slice %arg3[%add3A, %dma_wait3A_40] : memref<8x4096xf32, #tpu.memory_space<hbm>> -> memref<1x4096xf32, #tpu.memory_space<hbm>>
        %dma_wait3A_42 = tpu.memref_squeeze %dma_wait3A_41 : memref<1x4096xf32, #tpu.memory_space<hbm>> -> memref<4096xf32, #tpu.memory_space<hbm>>
        %dma_wait3A_43 = arith.constant 0 : i32
        %dma_wait3A_44 = tpu.memref_slice %arg3[%add3A, %dma_wait3A_43] : memref<8x4096xf32, #tpu.memory_space<hbm>> -> memref<1x4096xf32, #tpu.memory_space<hbm>>
        %dma_wait3A_45 = tpu.memref_squeeze %dma_wait3A_44 : memref<1x4096xf32, #tpu.memory_space<hbm>> -> memref<4096xf32, #tpu.memory_space<hbm>>
        %dma_wait3A_46 = arith.constant 0 : i32
        %dma_wait3A_47 = tpu.memref_slice %arg5[%dma_wait3A_46] : memref<4112xf32, #tpu.memory_space<vmem>> -> memref<4096xf32, #tpu.memory_space<vmem>>
        tpu.wait_dma2 semaphore(%run_scoped3A : memref<!tpu.dma_semaphore, #tpu.memory_space<semaphore_mem>>) src(%dma_wait3A_47 : memref<4096xf32, #tpu.memory_space<vmem>>) dst(%dma_wait3A_45 : memref<4096xf32, #tpu.memory_space<hbm>>)
        tpu.yield
      }) : () -> ()
    } else {
    }
    return
  }
}

module attributes {stable_mosaic.version = 14 : i64} {
  func.func @_dist_pred_kernel(%arg0: memref<8x64x64xf32, #tpu.memory_space<vmem>>, %arg1: memref<8x64x64xi32, #tpu.memory_space<vmem>>) attributes {dimension_semantics = [], scalar_prefetch = 0 : i64, scratch_operands = 0 : i64, tpu.core_type = #tpu.core_type<tc>} {
    %get3A = arith.constant 0 : index
    %get3A_0 = arith.constant 0 : index
    %get3A_1 = arith.constant 0 : index
    %get3A_2 = vector.load %arg0[%get3A, %get3A_0, %get3A_1] : memref<8x64x64xf32, #tpu.memory_space<vmem>>, vector<8x64x64xf32>
    %reshape3A = vector.shape_cast %get3A_2 : vector<8x64x64xf32> to vector<4x2x64x64xf32>
    %slice3A = vector.extract_strided_slice %reshape3A {offsets = [0, 0, 0, 0], sizes = [4, 1, 64, 64], strides = [1, 1, 1, 1]} : vector<4x2x64x64xf32> to vector<4x1x64x64xf32>
    %squeeze3A = vector.shape_cast %slice3A : vector<4x1x64x64xf32> to vector<4x64x64xf32>
    %slice3A_3 = vector.extract_strided_slice %reshape3A {offsets = [0, 1, 0, 0], sizes = [4, 1, 64, 64], strides = [1, 1, 1, 1]} : vector<4x2x64x64xf32> to vector<4x1x64x64xf32>
    %squeeze3A_4 = vector.shape_cast %slice3A_3 : vector<4x1x64x64xf32> to vector<4x64x64xf32>
    %concatenate3A = tpu.concatenate %squeeze3A, %squeeze3A_4 in 2 : vector<4x64x64xf32>, vector<4x64x64xf32> -> vector<4x64x128xf32>
    %iota3A = tpu.iota {dimensions = array<i32: 1>} : vector<4x64x128xi32>
    %iota3A_5 = tpu.iota {dimensions = array<i32: 2>} : vector<4x64x128xi32>
    %and3A = arith.constant 63 : i32
    %and3A_6 = vector.broadcast %and3A : i32 to vector<4x64x128xi32>
    %and3A_7 = arith.andi %iota3A_5, %and3A_6 : vector<4x64x128xi32>
    %mul3A = arith.constant 64 : i32
    %mul3A_8 = vector.broadcast %mul3A : i32 to vector<4x64x128xi32>
    %mul3A_9 = arith.muli %iota3A, %mul3A_8 : vector<4x64x128xi32>
    %add3A = arith.addi %mul3A_9, %and3A_7 : vector<4x64x128xi32>
    %ne3A = arith.constant 63 : i32
    %ne3A_10 = vector.broadcast %ne3A : i32 to vector<4x64x128xi32>
    %ne3A_11 = arith.cmpi ne, %and3A_7, %ne3A_10 : vector<4x64x128xi32>
    %ne3A_12 = arith.constant 0 : i32
    %ne3A_13 = vector.broadcast %ne3A_12 : i32 to vector<4x64x128xi32>
    %ne3A_14 = arith.cmpi ne, %and3A_7, %ne3A_13 : vector<4x64x128xi32>
    %ne3A_15 = arith.constant 63 : i32
    %ne3A_16 = vector.broadcast %ne3A_15 : i32 to vector<4x64x128xi32>
    %ne3A_17 = arith.cmpi ne, %iota3A, %ne3A_16 : vector<4x64x128xi32>
    %ne3A_18 = arith.constant 0 : i32
    %ne3A_19 = vector.broadcast %ne3A_18 : i32 to vector<4x64x128xi32>
    %ne3A_20 = arith.cmpi ne, %iota3A, %ne3A_19 : vector<4x64x128xi32>
    %eq3A = arith.constant 0 : i32
    %eq3A_21 = vector.broadcast %eq3A : i32 to vector<4x64x128xi32>
    %eq3A_22 = arith.cmpi eq, %add3A, %eq3A_21 : vector<4x64x128xi32>
    %jit3A = arith.constant 0.000000e+00 : f32
    %jit3A_23 = arith.constant 0x7F800000 : f32
    %broadcast_in_dim3A = vector.broadcast %jit3A : f32 to vector<4x64x128xf32>
    %broadcast_in_dim3A_24 = vector.broadcast %jit3A_23 : f32 to vector<4x64x128xf32>
    %select_n3A = arith.select %eq3A_22, %broadcast_in_dim3A, %broadcast_in_dim3A_24 : vector<4x64x128xi1>, vector<4x64x128xf32>
    %while3A = arith.constant 0x7F800000 : f32
    %while3A_25 = arith.constant true
    %while3A_26 = arith.constant 0 : i32
    %while3A_27:3 = scf.while (%while3A_358 = %select_n3A, %while3A_359 = %while3A_25, %while3A_360 = %while3A_26) : (vector<4x64x128xf32>, i1, i32) -> (vector<4x64x128xf32>, i1, i32) {
      %lt3A_361 = arith.constant 4096 : i32
      %lt3A_362 = arith.cmpi slt, %while3A_360, %lt3A_361 : i32
      %and3A_363 = arith.andi %while3A_359, %lt3A_362 : i1
      scf.condition(%and3A_363) %while3A_358, %while3A_359, %while3A_360 : vector<4x64x128xf32>, i1, i32
    } do {
    ^bb0(%while3A_358: vector<4x64x128xf32>, %while3A_359: i1, %while3A_360: i32):
      %slice3A_361 = vector.extract_strided_slice %while3A_358 {offsets = [0, 0, 1], sizes = [4, 64, 127], strides = [1, 1, 1]} : vector<4x64x128xf32> to vector<4x64x127xf32>
      %slice3A_362 = vector.extract_strided_slice %while3A_358 {offsets = [0, 0, 0], sizes = [4, 64, 1], strides = [1, 1, 1]} : vector<4x64x128xf32> to vector<4x64x1xf32>
      %concatenate3A_363 = tpu.concatenate %slice3A_361, %slice3A_362 in 2 : vector<4x64x127xf32>, vector<4x64x1xf32> -> vector<4x64x128xf32>
      %broadcast_in_dim3A_364 = vector.broadcast %while3A : f32 to vector<4x64x128xf32>
      %select_n3A_365 = arith.select %ne3A_11, %concatenate3A_363, %broadcast_in_dim3A_364 : vector<4x64x128xi1>, vector<4x64x128xf32>
      %min3A_366 = arith.minimumf %while3A_358, %select_n3A_365 : vector<4x64x128xf32>
      %slice3A_367 = vector.extract_strided_slice %while3A_358 {offsets = [0, 0, 127], sizes = [4, 64, 1], strides = [1, 1, 1]} : vector<4x64x128xf32> to vector<4x64x1xf32>
      %slice3A_368 = vector.extract_strided_slice %while3A_358 {offsets = [0, 0, 0], sizes = [4, 64, 127], strides = [1, 1, 1]} : vector<4x64x128xf32> to vector<4x64x127xf32>
      %concatenate3A_369 = tpu.concatenate %slice3A_367, %slice3A_368 in 2 : vector<4x64x1xf32>, vector<4x64x127xf32> -> vector<4x64x128xf32>
      %broadcast_in_dim3A_370 = vector.broadcast %while3A : f32 to vector<4x64x128xf32>
      %select_n3A_371 = arith.select %ne3A_14, %concatenate3A_369, %broadcast_in_dim3A_370 : vector<4x64x128xi1>, vector<4x64x128xf32>
      %min3A_372 = arith.minimumf %min3A_366, %select_n3A_371 : vector<4x64x128xf32>
      %slice3A_373 = vector.extract_strided_slice %min3A_372 {offsets = [0, 1, 0], sizes = [4, 63, 128], strides = [1, 1, 1]} : vector<4x64x128xf32> to vector<4x63x128xf32>
      %slice3A_374 = vector.extract_strided_slice %min3A_372 {offsets = [0, 0, 0], sizes = [4, 1, 128], strides = [1, 1, 1]} : vector<4x64x128xf32> to vector<4x1x128xf32>
      %concatenate3A_375 = tpu.concatenate %slice3A_373, %slice3A_374 in 1 : vector<4x63x128xf32>, vector<4x1x128xf32> -> vector<4x64x128xf32>
      %broadcast_in_dim3A_376 = vector.broadcast %while3A : f32 to vector<4x64x128xf32>
      %select_n3A_377 = arith.select %ne3A_17, %concatenate3A_375, %broadcast_in_dim3A_376 : vector<4x64x128xi1>, vector<4x64x128xf32>
      %min3A_378 = arith.minimumf %min3A_372, %select_n3A_377 : vector<4x64x128xf32>
      %slice3A_379 = vector.extract_strided_slice %min3A_372 {offsets = [0, 63, 0], sizes = [4, 1, 128], strides = [1, 1, 1]} : vector<4x64x128xf32> to vector<4x1x128xf32>
      %slice3A_380 = vector.extract_strided_slice %min3A_372 {offsets = [0, 0, 0], sizes = [4, 63, 128], strides = [1, 1, 1]} : vector<4x64x128xf32> to vector<4x63x128xf32>
      %concatenate3A_381 = tpu.concatenate %slice3A_379, %slice3A_380 in 1 : vector<4x1x128xf32>, vector<4x63x128xf32> -> vector<4x64x128xf32>
      %broadcast_in_dim3A_382 = vector.broadcast %while3A : f32 to vector<4x64x128xf32>
      %select_n3A_383 = arith.select %ne3A_20, %concatenate3A_381, %broadcast_in_dim3A_382 : vector<4x64x128xi1>, vector<4x64x128xf32>
      %min3A_384 = arith.minimumf %min3A_378, %select_n3A_383 : vector<4x64x128xf32>
      %add3A_385 = arith.addf %min3A_384, %concatenate3A : vector<4x64x128xf32>
      %min3A_386 = arith.minimumf %while3A_358, %add3A_385 : vector<4x64x128xf32>
      %slice3A_387 = vector.extract_strided_slice %min3A_386 {offsets = [0, 0, 1], sizes = [4, 64, 127], strides = [1, 1, 1]} : vector<4x64x128xf32> to vector<4x64x127xf32>
      %slice3A_388 = vector.extract_strided_slice %min3A_386 {offsets = [0, 0, 0], sizes = [4, 64, 1], strides = [1, 1, 1]} : vector<4x64x128xf32> to vector<4x64x1xf32>
      %concatenate3A_389 = tpu.concatenate %slice3A_387, %slice3A_388 in 2 : vector<4x64x127xf32>, vector<4x64x1xf32> -> vector<4x64x128xf32>
      %broadcast_in_dim3A_390 = vector.broadcast %while3A : f32 to vector<4x64x128xf32>
      %select_n3A_391 = arith.select %ne3A_11, %concatenate3A_389, %broadcast_in_dim3A_390 : vector<4x64x128xi1>, vector<4x64x128xf32>
      %min3A_392 = arith.minimumf %min3A_386, %select_n3A_391 : vector<4x64x128xf32>
      %slice3A_393 = vector.extract_strided_slice %min3A_386 {offsets = [0, 0, 127], sizes = [4, 64, 1], strides = [1, 1, 1]} : vector<4x64x128xf32> to vector<4x64x1xf32>
      %slice3A_394 = vector.extract_strided_slice %min3A_386 {offsets = [0, 0, 0], sizes = [4, 64, 127], strides = [1, 1, 1]} : vector<4x64x128xf32> to vector<4x64x127xf32>
      %concatenate3A_395 = tpu.concatenate %slice3A_393, %slice3A_394 in 2 : vector<4x64x1xf32>, vector<4x64x127xf32> -> vector<4x64x128xf32>
      %broadcast_in_dim3A_396 = vector.broadcast %while3A : f32 to vector<4x64x128xf32>
      %select_n3A_397 = arith.select %ne3A_14, %concatenate3A_395, %broadcast_in_dim3A_396 : vector<4x64x128xi1>, vector<4x64x128xf32>
      %min3A_398 = arith.minimumf %min3A_392, %select_n3A_397 : vector<4x64x128xf32>
      %slice3A_399 = vector.extract_strided_slice %min3A_398 {offsets = [0, 1, 0], sizes = [4, 63, 128], strides = [1, 1, 1]} : vector<4x64x128xf32> to vector<4x63x128xf32>
      %slice3A_400 = vector.extract_strided_slice %min3A_398 {offsets = [0, 0, 0], sizes = [4, 1, 128], strides = [1, 1, 1]} : vector<4x64x128xf32> to vector<4x1x128xf32>
      %concatenate3A_401 = tpu.concatenate %slice3A_399, %slice3A_400 in 1 : vector<4x63x128xf32>, vector<4x1x128xf32> -> vector<4x64x128xf32>
      %broadcast_in_dim3A_402 = vector.broadcast %while3A : f32 to vector<4x64x128xf32>
      %select_n3A_403 = arith.select %ne3A_17, %concatenate3A_401, %broadcast_in_dim3A_402 : vector<4x64x128xi1>, vector<4x64x128xf32>
      %min3A_404 = arith.minimumf %min3A_398, %select_n3A_403 : vector<4x64x128xf32>
      %slice3A_405 = vector.extract_strided_slice %min3A_398 {offsets = [0, 63, 0], sizes = [4, 1, 128], strides = [1, 1, 1]} : vector<4x64x128xf32> to vector<4x1x128xf32>
      %slice3A_406 = vector.extract_strided_slice %min3A_398 {offsets = [0, 0, 0], sizes = [4, 63, 128], strides = [1, 1, 1]} : vector<4x64x128xf32> to vector<4x63x128xf32>
      %concatenate3A_407 = tpu.concatenate %slice3A_405, %slice3A_406 in 1 : vector<4x1x128xf32>, vector<4x63x128xf32> -> vector<4x64x128xf32>
      %broadcast_in_dim3A_408 = vector.broadcast %while3A : f32 to vector<4x64x128xf32>
      %select_n3A_409 = arith.select %ne3A_20, %concatenate3A_407, %broadcast_in_dim3A_408 : vector<4x64x128xi1>, vector<4x64x128xf32>
      %min3A_410 = arith.minimumf %min3A_404, %select_n3A_409 : vector<4x64x128xf32>
      %add3A_411 = arith.addf %min3A_410, %concatenate3A : vector<4x64x128xf32>
      %min3A_412 = arith.minimumf %min3A_386, %add3A_411 : vector<4x64x128xf32>
      %slice3A_413 = vector.extract_strided_slice %min3A_412 {offsets = [0, 0, 1], sizes = [4, 64, 127], strides = [1, 1, 1]} : vector<4x64x128xf32> to vector<4x64x127xf32>
      %slice3A_414 = vector.extract_strided_slice %min3A_412 {offsets = [0, 0, 0], sizes = [4, 64, 1], strides = [1, 1, 1]} : vector<4x64x128xf32> to vector<4x64x1xf32>
      %concatenate3A_415 = tpu.concatenate %slice3A_413, %slice3A_414 in 2 : vector<4x64x127xf32>, vector<4x64x1xf32> -> vector<4x64x128xf32>
      %broadcast_in_dim3A_416 = vector.broadcast %while3A : f32 to vector<4x64x128xf32>
      %select_n3A_417 = arith.select %ne3A_11, %concatenate3A_415, %broadcast_in_dim3A_416 : vector<4x64x128xi1>, vector<4x64x128xf32>
      %min3A_418 = arith.minimumf %min3A_412, %select_n3A_417 : vector<4x64x128xf32>
      %slice3A_419 = vector.extract_strided_slice %min3A_412 {offsets = [0, 0, 127], sizes = [4, 64, 1], strides = [1, 1, 1]} : vector<4x64x128xf32> to vector<4x64x1xf32>
      %slice3A_420 = vector.extract_strided_slice %min3A_412 {offsets = [0, 0, 0], sizes = [4, 64, 127], strides = [1, 1, 1]} : vector<4x64x128xf32> to vector<4x64x127xf32>
      %concatenate3A_421 = tpu.concatenate %slice3A_419, %slice3A_420 in 2 : vector<4x64x1xf32>, vector<4x64x127xf32> -> vector<4x64x128xf32>
      %broadcast_in_dim3A_422 = vector.broadcast %while3A : f32 to vector<4x64x128xf32>
      %select_n3A_423 = arith.select %ne3A_14, %concatenate3A_421, %broadcast_in_dim3A_422 : vector<4x64x128xi1>, vector<4x64x128xf32>
      %min3A_424 = arith.minimumf %min3A_418, %select_n3A_423 : vector<4x64x128xf32>
      %slice3A_425 = vector.extract_strided_slice %min3A_424 {offsets = [0, 1, 0], sizes = [4, 63, 128], strides = [1, 1, 1]} : vector<4x64x128xf32> to vector<4x63x128xf32>
      %slice3A_426 = vector.extract_strided_slice %min3A_424 {offsets = [0, 0, 0], sizes = [4, 1, 128], strides = [1, 1, 1]} : vector<4x64x128xf32> to vector<4x1x128xf32>
      %concatenate3A_427 = tpu.concatenate %slice3A_425, %slice3A_426 in 1 : vector<4x63x128xf32>, vector<4x1x128xf32> -> vector<4x64x128xf32>
      %broadcast_in_dim3A_428 = vector.broadcast %while3A : f32 to vector<4x64x128xf32>
      %select_n3A_429 = arith.select %ne3A_17, %concatenate3A_427, %broadcast_in_dim3A_428 : vector<4x64x128xi1>, vector<4x64x128xf32>
      %min3A_430 = arith.minimumf %min3A_424, %select_n3A_429 : vector<4x64x128xf32>
      %slice3A_431 = vector.extract_strided_slice %min3A_424 {offsets = [0, 63, 0], sizes = [4, 1, 128], strides = [1, 1, 1]} : vector<4x64x128xf32> to vector<4x1x128xf32>
      %slice3A_432 = vector.extract_strided_slice %min3A_424 {offsets = [0, 0, 0], sizes = [4, 63, 128], strides = [1, 1, 1]} : vector<4x64x128xf32> to vector<4x63x128xf32>
      %concatenate3A_433 = tpu.concatenate %slice3A_431, %slice3A_432 in 1 : vector<4x1x128xf32>, vector<4x63x128xf32> -> vector<4x64x128xf32>
      %broadcast_in_dim3A_434 = vector.broadcast %while3A : f32 to vector<4x64x128xf32>
      %select_n3A_435 = arith.select %ne3A_20, %concatenate3A_433, %broadcast_in_dim3A_434 : vector<4x64x128xi1>, vector<4x64x128xf32>
      %min3A_436 = arith.minimumf %min3A_430, %select_n3A_435 : vector<4x64x128xf32>
      %add3A_437 = arith.addf %min3A_436, %concatenate3A : vector<4x64x128xf32>
      %min3A_438 = arith.minimumf %min3A_412, %add3A_437 : vector<4x64x128xf32>
      %slice3A_439 = vector.extract_strided_slice %min3A_438 {offsets = [0, 0, 1], sizes = [4, 64, 127], strides = [1, 1, 1]} : vector<4x64x128xf32> to vector<4x64x127xf32>
      %slice3A_440 = vector.extract_strided_slice %min3A_438 {offsets = [0, 0, 0], sizes = [4, 64, 1], strides = [1, 1, 1]} : vector<4x64x128xf32> to vector<4x64x1xf32>
      %concatenate3A_441 = tpu.concatenate %slice3A_439, %slice3A_440 in 2 : vector<4x64x127xf32>, vector<4x64x1xf32> -> vector<4x64x128xf32>
      %broadcast_in_dim3A_442 = vector.broadcast %while3A : f32 to vector<4x64x128xf32>
      %select_n3A_443 = arith.select %ne3A_11, %concatenate3A_441, %broadcast_in_dim3A_442 : vector<4x64x128xi1>, vector<4x64x128xf32>
      %min3A_444 = arith.minimumf %min3A_438, %select_n3A_443 : vector<4x64x128xf32>
      %slice3A_445 = vector.extract_strided_slice %min3A_438 {offsets = [0, 0, 127], sizes = [4, 64, 1], strides = [1, 1, 1]} : vector<4x64x128xf32> to vector<4x64x1xf32>
      %slice3A_446 = vector.extract_strided_slice %min3A_438 {offsets = [0, 0, 0], sizes = [4, 64, 127], strides = [1, 1, 1]} : vector<4x64x128xf32> to vector<4x64x127xf32>
      %concatenate3A_447 = tpu.concatenate %slice3A_445, %slice3A_446 in 2 : vector<4x64x1xf32>, vector<4x64x127xf32> -> vector<4x64x128xf32>
      %broadcast_in_dim3A_448 = vector.broadcast %while3A : f32 to vector<4x64x128xf32>
      %select_n3A_449 = arith.select %ne3A_14, %concatenate3A_447, %broadcast_in_dim3A_448 : vector<4x64x128xi1>, vector<4x64x128xf32>
      %min3A_450 = arith.minimumf %min3A_444, %select_n3A_449 : vector<4x64x128xf32>
      %slice3A_451 = vector.extract_strided_slice %min3A_450 {offsets = [0, 1, 0], sizes = [4, 63, 128], strides = [1, 1, 1]} : vector<4x64x128xf32> to vector<4x63x128xf32>
      %slice3A_452 = vector.extract_strided_slice %min3A_450 {offsets = [0, 0, 0], sizes = [4, 1, 128], strides = [1, 1, 1]} : vector<4x64x128xf32> to vector<4x1x128xf32>
      %concatenate3A_453 = tpu.concatenate %slice3A_451, %slice3A_452 in 1 : vector<4x63x128xf32>, vector<4x1x128xf32> -> vector<4x64x128xf32>
      %broadcast_in_dim3A_454 = vector.broadcast %while3A : f32 to vector<4x64x128xf32>
      %select_n3A_455 = arith.select %ne3A_17, %concatenate3A_453, %broadcast_in_dim3A_454 : vector<4x64x128xi1>, vector<4x64x128xf32>
      %min3A_456 = arith.minimumf %min3A_450, %select_n3A_455 : vector<4x64x128xf32>
      %slice3A_457 = vector.extract_strided_slice %min3A_450 {offsets = [0, 63, 0], sizes = [4, 1, 128], strides = [1, 1, 1]} : vector<4x64x128xf32> to vector<4x1x128xf32>
      %slice3A_458 = vector.extract_strided_slice %min3A_450 {offsets = [0, 0, 0], sizes = [4, 63, 128], strides = [1, 1, 1]} : vector<4x64x128xf32> to vector<4x63x128xf32>
      %concatenate3A_459 = tpu.concatenate %slice3A_457, %slice3A_458 in 1 : vector<4x1x128xf32>, vector<4x63x128xf32> -> vector<4x64x128xf32>
      %broadcast_in_dim3A_460 = vector.broadcast %while3A : f32 to vector<4x64x128xf32>
      %select_n3A_461 = arith.select %ne3A_20, %concatenate3A_459, %broadcast_in_dim3A_460 : vector<4x64x128xi1>, vector<4x64x128xf32>
      %min3A_462 = arith.minimumf %min3A_456, %select_n3A_461 : vector<4x64x128xf32>
      %add3A_463 = arith.addf %min3A_462, %concatenate3A : vector<4x64x128xf32>
      %min3A_464 = arith.minimumf %min3A_438, %add3A_463 : vector<4x64x128xf32>
      %slice3A_465 = vector.extract_strided_slice %min3A_464 {offsets = [0, 0, 1], sizes = [4, 64, 127], strides = [1, 1, 1]} : vector<4x64x128xf32> to vector<4x64x127xf32>
      %slice3A_466 = vector.extract_strided_slice %min3A_464 {offsets = [0, 0, 0], sizes = [4, 64, 1], strides = [1, 1, 1]} : vector<4x64x128xf32> to vector<4x64x1xf32>
      %concatenate3A_467 = tpu.concatenate %slice3A_465, %slice3A_466 in 2 : vector<4x64x127xf32>, vector<4x64x1xf32> -> vector<4x64x128xf32>
      %broadcast_in_dim3A_468 = vector.broadcast %while3A : f32 to vector<4x64x128xf32>
      %select_n3A_469 = arith.select %ne3A_11, %concatenate3A_467, %broadcast_in_dim3A_468 : vector<4x64x128xi1>, vector<4x64x128xf32>
      %min3A_470 = arith.minimumf %min3A_464, %select_n3A_469 : vector<4x64x128xf32>
      %slice3A_471 = vector.extract_strided_slice %min3A_464 {offsets = [0, 0, 127], sizes = [4, 64, 1], strides = [1, 1, 1]} : vector<4x64x128xf32> to vector<4x64x1xf32>
      %slice3A_472 = vector.extract_strided_slice %min3A_464 {offsets = [0, 0, 0], sizes = [4, 64, 127], strides = [1, 1, 1]} : vector<4x64x128xf32> to vector<4x64x127xf32>
      %concatenate3A_473 = tpu.concatenate %slice3A_471, %slice3A_472 in 2 : vector<4x64x1xf32>, vector<4x64x127xf32> -> vector<4x64x128xf32>
      %broadcast_in_dim3A_474 = vector.broadcast %while3A : f32 to vector<4x64x128xf32>
      %select_n3A_475 = arith.select %ne3A_14, %concatenate3A_473, %broadcast_in_dim3A_474 : vector<4x64x128xi1>, vector<4x64x128xf32>
      %min3A_476 = arith.minimumf %min3A_470, %select_n3A_475 : vector<4x64x128xf32>
      %slice3A_477 = vector.extract_strided_slice %min3A_476 {offsets = [0, 1, 0], sizes = [4, 63, 128], strides = [1, 1, 1]} : vector<4x64x128xf32> to vector<4x63x128xf32>
      %slice3A_478 = vector.extract_strided_slice %min3A_476 {offsets = [0, 0, 0], sizes = [4, 1, 128], strides = [1, 1, 1]} : vector<4x64x128xf32> to vector<4x1x128xf32>
      %concatenate3A_479 = tpu.concatenate %slice3A_477, %slice3A_478 in 1 : vector<4x63x128xf32>, vector<4x1x128xf32> -> vector<4x64x128xf32>
      %broadcast_in_dim3A_480 = vector.broadcast %while3A : f32 to vector<4x64x128xf32>
      %select_n3A_481 = arith.select %ne3A_17, %concatenate3A_479, %broadcast_in_dim3A_480 : vector<4x64x128xi1>, vector<4x64x128xf32>
      %min3A_482 = arith.minimumf %min3A_476, %select_n3A_481 : vector<4x64x128xf32>
      %slice3A_483 = vector.extract_strided_slice %min3A_476 {offsets = [0, 63, 0], sizes = [4, 1, 128], strides = [1, 1, 1]} : vector<4x64x128xf32> to vector<4x1x128xf32>
      %slice3A_484 = vector.extract_strided_slice %min3A_476 {offsets = [0, 0, 0], sizes = [4, 63, 128], strides = [1, 1, 1]} : vector<4x64x128xf32> to vector<4x63x128xf32>
      %concatenate3A_485 = tpu.concatenate %slice3A_483, %slice3A_484 in 1 : vector<4x1x128xf32>, vector<4x63x128xf32> -> vector<4x64x128xf32>
      %broadcast_in_dim3A_486 = vector.broadcast %while3A : f32 to vector<4x64x128xf32>
      %select_n3A_487 = arith.select %ne3A_20, %concatenate3A_485, %broadcast_in_dim3A_486 : vector<4x64x128xi1>, vector<4x64x128xf32>
      %min3A_488 = arith.minimumf %min3A_482, %select_n3A_487 : vector<4x64x128xf32>
      %add3A_489 = arith.addf %min3A_488, %concatenate3A : vector<4x64x128xf32>
      %min3A_490 = arith.minimumf %min3A_464, %add3A_489 : vector<4x64x128xf32>
      %slice3A_491 = vector.extract_strided_slice %min3A_490 {offsets = [0, 0, 1], sizes = [4, 64, 127], strides = [1, 1, 1]} : vector<4x64x128xf32> to vector<4x64x127xf32>
      %slice3A_492 = vector.extract_strided_slice %min3A_490 {offsets = [0, 0, 0], sizes = [4, 64, 1], strides = [1, 1, 1]} : vector<4x64x128xf32> to vector<4x64x1xf32>
      %concatenate3A_493 = tpu.concatenate %slice3A_491, %slice3A_492 in 2 : vector<4x64x127xf32>, vector<4x64x1xf32> -> vector<4x64x128xf32>
      %broadcast_in_dim3A_494 = vector.broadcast %while3A : f32 to vector<4x64x128xf32>
      %select_n3A_495 = arith.select %ne3A_11, %concatenate3A_493, %broadcast_in_dim3A_494 : vector<4x64x128xi1>, vector<4x64x128xf32>
      %min3A_496 = arith.minimumf %min3A_490, %select_n3A_495 : vector<4x64x128xf32>
      %slice3A_497 = vector.extract_strided_slice %min3A_490 {offsets = [0, 0, 127], sizes = [4, 64, 1], strides = [1, 1, 1]} : vector<4x64x128xf32> to vector<4x64x1xf32>
      %slice3A_498 = vector.extract_strided_slice %min3A_490 {offsets = [0, 0, 0], sizes = [4, 64, 127], strides = [1, 1, 1]} : vector<4x64x128xf32> to vector<4x64x127xf32>
      %concatenate3A_499 = tpu.concatenate %slice3A_497, %slice3A_498 in 2 : vector<4x64x1xf32>, vector<4x64x127xf32> -> vector<4x64x128xf32>
      %broadcast_in_dim3A_500 = vector.broadcast %while3A : f32 to vector<4x64x128xf32>
      %select_n3A_501 = arith.select %ne3A_14, %concatenate3A_499, %broadcast_in_dim3A_500 : vector<4x64x128xi1>, vector<4x64x128xf32>
      %min3A_502 = arith.minimumf %min3A_496, %select_n3A_501 : vector<4x64x128xf32>
      %slice3A_503 = vector.extract_strided_slice %min3A_502 {offsets = [0, 1, 0], sizes = [4, 63, 128], strides = [1, 1, 1]} : vector<4x64x128xf32> to vector<4x63x128xf32>
      %slice3A_504 = vector.extract_strided_slice %min3A_502 {offsets = [0, 0, 0], sizes = [4, 1, 128], strides = [1, 1, 1]} : vector<4x64x128xf32> to vector<4x1x128xf32>
      %concatenate3A_505 = tpu.concatenate %slice3A_503, %slice3A_504 in 1 : vector<4x63x128xf32>, vector<4x1x128xf32> -> vector<4x64x128xf32>
      %broadcast_in_dim3A_506 = vector.broadcast %while3A : f32 to vector<4x64x128xf32>
      %select_n3A_507 = arith.select %ne3A_17, %concatenate3A_505, %broadcast_in_dim3A_506 : vector<4x64x128xi1>, vector<4x64x128xf32>
      %min3A_508 = arith.minimumf %min3A_502, %select_n3A_507 : vector<4x64x128xf32>
      %slice3A_509 = vector.extract_strided_slice %min3A_502 {offsets = [0, 63, 0], sizes = [4, 1, 128], strides = [1, 1, 1]} : vector<4x64x128xf32> to vector<4x1x128xf32>
      %slice3A_510 = vector.extract_strided_slice %min3A_502 {offsets = [0, 0, 0], sizes = [4, 63, 128], strides = [1, 1, 1]} : vector<4x64x128xf32> to vector<4x63x128xf32>
      %concatenate3A_511 = tpu.concatenate %slice3A_509, %slice3A_510 in 1 : vector<4x1x128xf32>, vector<4x63x128xf32> -> vector<4x64x128xf32>
      %broadcast_in_dim3A_512 = vector.broadcast %while3A : f32 to vector<4x64x128xf32>
      %select_n3A_513 = arith.select %ne3A_20, %concatenate3A_511, %broadcast_in_dim3A_512 : vector<4x64x128xi1>, vector<4x64x128xf32>
      %min3A_514 = arith.minimumf %min3A_508, %select_n3A_513 : vector<4x64x128xf32>
      %add3A_515 = arith.addf %min3A_514, %concatenate3A : vector<4x64x128xf32>
      %min3A_516 = arith.minimumf %min3A_490, %add3A_515 : vector<4x64x128xf32>
      %slice3A_517 = vector.extract_strided_slice %min3A_516 {offsets = [0, 0, 1], sizes = [4, 64, 127], strides = [1, 1, 1]} : vector<4x64x128xf32> to vector<4x64x127xf32>
      %slice3A_518 = vector.extract_strided_slice %min3A_516 {offsets = [0, 0, 0], sizes = [4, 64, 1], strides = [1, 1, 1]} : vector<4x64x128xf32> to vector<4x64x1xf32>
      %concatenate3A_519 = tpu.concatenate %slice3A_517, %slice3A_518 in 2 : vector<4x64x127xf32>, vector<4x64x1xf32> -> vector<4x64x128xf32>
      %broadcast_in_dim3A_520 = vector.broadcast %while3A : f32 to vector<4x64x128xf32>
      %select_n3A_521 = arith.select %ne3A_11, %concatenate3A_519, %broadcast_in_dim3A_520 : vector<4x64x128xi1>, vector<4x64x128xf32>
      %min3A_522 = arith.minimumf %min3A_516, %select_n3A_521 : vector<4x64x128xf32>
      %slice3A_523 = vector.extract_strided_slice %min3A_516 {offsets = [0, 0, 127], sizes = [4, 64, 1], strides = [1, 1, 1]} : vector<4x64x128xf32> to vector<4x64x1xf32>
      %slice3A_524 = vector.extract_strided_slice %min3A_516 {offsets = [0, 0, 0], sizes = [4, 64, 127], strides = [1, 1, 1]} : vector<4x64x128xf32> to vector<4x64x127xf32>
      %concatenate3A_525 = tpu.concatenate %slice3A_523, %slice3A_524 in 2 : vector<4x64x1xf32>, vector<4x64x127xf32> -> vector<4x64x128xf32>
      %broadcast_in_dim3A_526 = vector.broadcast %while3A : f32 to vector<4x64x128xf32>
      %select_n3A_527 = arith.select %ne3A_14, %concatenate3A_525, %broadcast_in_dim3A_526 : vector<4x64x128xi1>, vector<4x64x128xf32>
      %min3A_528 = arith.minimumf %min3A_522, %select_n3A_527 : vector<4x64x128xf32>
      %slice3A_529 = vector.extract_strided_slice %min3A_528 {offsets = [0, 1, 0], sizes = [4, 63, 128], strides = [1, 1, 1]} : vector<4x64x128xf32> to vector<4x63x128xf32>
      %slice3A_530 = vector.extract_strided_slice %min3A_528 {offsets = [0, 0, 0], sizes = [4, 1, 128], strides = [1, 1, 1]} : vector<4x64x128xf32> to vector<4x1x128xf32>
      %concatenate3A_531 = tpu.concatenate %slice3A_529, %slice3A_530 in 1 : vector<4x63x128xf32>, vector<4x1x128xf32> -> vector<4x64x128xf32>
      %broadcast_in_dim3A_532 = vector.broadcast %while3A : f32 to vector<4x64x128xf32>
      %select_n3A_533 = arith.select %ne3A_17, %concatenate3A_531, %broadcast_in_dim3A_532 : vector<4x64x128xi1>, vector<4x64x128xf32>
      %min3A_534 = arith.minimumf %min3A_528, %select_n3A_533 : vector<4x64x128xf32>
      %slice3A_535 = vector.extract_strided_slice %min3A_528 {offsets = [0, 63, 0], sizes = [4, 1, 128], strides = [1, 1, 1]} : vector<4x64x128xf32> to vector<4x1x128xf32>
      %slice3A_536 = vector.extract_strided_slice %min3A_528 {offsets = [0, 0, 0], sizes = [4, 63, 128], strides = [1, 1, 1]} : vector<4x64x128xf32> to vector<4x63x128xf32>
      %concatenate3A_537 = tpu.concatenate %slice3A_535, %slice3A_536 in 1 : vector<4x1x128xf32>, vector<4x63x128xf32> -> vector<4x64x128xf32>
      %broadcast_in_dim3A_538 = vector.broadcast %while3A : f32 to vector<4x64x128xf32>
      %select_n3A_539 = arith.select %ne3A_20, %concatenate3A_537, %broadcast_in_dim3A_538 : vector<4x64x128xi1>, vector<4x64x128xf32>
      %min3A_540 = arith.minimumf %min3A_534, %select_n3A_539 : vector<4x64x128xf32>
      %add3A_541 = arith.addf %min3A_540, %concatenate3A : vector<4x64x128xf32>
      %min3A_542 = arith.minimumf %min3A_516, %add3A_541 : vector<4x64x128xf32>
      %slice3A_543 = vector.extract_strided_slice %min3A_542 {offsets = [0, 0, 1], sizes = [4, 64, 127], strides = [1, 1, 1]} : vector<4x64x128xf32> to vector<4x64x127xf32>
      %slice3A_544 = vector.extract_strided_slice %min3A_542 {offsets = [0, 0, 0], sizes = [4, 64, 1], strides = [1, 1, 1]} : vector<4x64x128xf32> to vector<4x64x1xf32>
      %concatenate3A_545 = tpu.concatenate %slice3A_543, %slice3A_544 in 2 : vector<4x64x127xf32>, vector<4x64x1xf32> -> vector<4x64x128xf32>
      %broadcast_in_dim3A_546 = vector.broadcast %while3A : f32 to vector<4x64x128xf32>
      %select_n3A_547 = arith.select %ne3A_11, %concatenate3A_545, %broadcast_in_dim3A_546 : vector<4x64x128xi1>, vector<4x64x128xf32>
      %min3A_548 = arith.minimumf %min3A_542, %select_n3A_547 : vector<4x64x128xf32>
      %slice3A_549 = vector.extract_strided_slice %min3A_542 {offsets = [0, 0, 127], sizes = [4, 64, 1], strides = [1, 1, 1]} : vector<4x64x128xf32> to vector<4x64x1xf32>
      %slice3A_550 = vector.extract_strided_slice %min3A_542 {offsets = [0, 0, 0], sizes = [4, 64, 127], strides = [1, 1, 1]} : vector<4x64x128xf32> to vector<4x64x127xf32>
      %concatenate3A_551 = tpu.concatenate %slice3A_549, %slice3A_550 in 2 : vector<4x64x1xf32>, vector<4x64x127xf32> -> vector<4x64x128xf32>
      %broadcast_in_dim3A_552 = vector.broadcast %while3A : f32 to vector<4x64x128xf32>
      %select_n3A_553 = arith.select %ne3A_14, %concatenate3A_551, %broadcast_in_dim3A_552 : vector<4x64x128xi1>, vector<4x64x128xf32>
      %min3A_554 = arith.minimumf %min3A_548, %select_n3A_553 : vector<4x64x128xf32>
      %slice3A_555 = vector.extract_strided_slice %min3A_554 {offsets = [0, 1, 0], sizes = [4, 63, 128], strides = [1, 1, 1]} : vector<4x64x128xf32> to vector<4x63x128xf32>
      %slice3A_556 = vector.extract_strided_slice %min3A_554 {offsets = [0, 0, 0], sizes = [4, 1, 128], strides = [1, 1, 1]} : vector<4x64x128xf32> to vector<4x1x128xf32>
      %concatenate3A_557 = tpu.concatenate %slice3A_555, %slice3A_556 in 1 : vector<4x63x128xf32>, vector<4x1x128xf32> -> vector<4x64x128xf32>
      %broadcast_in_dim3A_558 = vector.broadcast %while3A : f32 to vector<4x64x128xf32>
      %select_n3A_559 = arith.select %ne3A_17, %concatenate3A_557, %broadcast_in_dim3A_558 : vector<4x64x128xi1>, vector<4x64x128xf32>
      %min3A_560 = arith.minimumf %min3A_554, %select_n3A_559 : vector<4x64x128xf32>
      %slice3A_561 = vector.extract_strided_slice %min3A_554 {offsets = [0, 63, 0], sizes = [4, 1, 128], strides = [1, 1, 1]} : vector<4x64x128xf32> to vector<4x1x128xf32>
      %slice3A_562 = vector.extract_strided_slice %min3A_554 {offsets = [0, 0, 0], sizes = [4, 63, 128], strides = [1, 1, 1]} : vector<4x64x128xf32> to vector<4x63x128xf32>
      %concatenate3A_563 = tpu.concatenate %slice3A_561, %slice3A_562 in 1 : vector<4x1x128xf32>, vector<4x63x128xf32> -> vector<4x64x128xf32>
      %broadcast_in_dim3A_564 = vector.broadcast %while3A : f32 to vector<4x64x128xf32>
      %select_n3A_565 = arith.select %ne3A_20, %concatenate3A_563, %broadcast_in_dim3A_564 : vector<4x64x128xi1>, vector<4x64x128xf32>
      %min3A_566 = arith.minimumf %min3A_560, %select_n3A_565 : vector<4x64x128xf32>
      %add3A_567 = arith.addf %min3A_566, %concatenate3A : vector<4x64x128xf32>
      %min3A_568 = arith.minimumf %min3A_542, %add3A_567 : vector<4x64x128xf32>
      %lt3A_569 = arith.cmpf olt, %min3A_568, %while3A_358 : vector<4x64x128xf32>
      %reduce_or3A = arith.constant 1.000000e+00 : f32
      %reduce_or3A_570 = arith.constant 0.000000e+00 : f32
      %reduce_or3A_571 = vector.broadcast %reduce_or3A : f32 to vector<4x64x128xf32>
      %reduce_or3A_572 = vector.broadcast %reduce_or3A_570 : f32 to vector<4x64x128xf32>
      %reduce_or3A_573 = arith.select %lt3A_569, %reduce_or3A_571, %reduce_or3A_572 : vector<4x64x128xi1>, vector<4x64x128xf32>
      %reduce_or3A_574 = vector.shape_cast %reduce_or3A_573 : vector<4x64x128xf32> to vector<1x4x64x128xf32>
      %reduce_or3A_575 = arith.constant dense<0xFF800000> : vector<1xf32>
      %reduce_or3A_576 = vector.multi_reduction <maximumf>, %reduce_or3A_574, %reduce_or3A_575 [1, 2, 3] : vector<1x4x64x128xf32> to vector<1xf32>
      %reduce_or3A_577 = vector.shape_cast %reduce_or3A_576 : vector<1xf32> to vector<1x1x1x1xf32>
      %reduce_or3A_578 = vector.extract %reduce_or3A_577[0, 0, 0, 0] : f32 from vector<1x1x1x1xf32>
      %reduce_or3A_579 = arith.constant 0.000000e+00 : f32
      %reduce_or3A_580 = arith.cmpf ogt, %reduce_or3A_578, %reduce_or3A_579 : f32
      %add3A_581 = arith.constant 8 : i32
      %add3A_582 = arith.addi %while3A_360, %add3A_581 : i32
      scf.yield %min3A_568, %reduce_or3A_580, %add3A_582 : vector<4x64x128xf32>, i1, i32
    }
    %broadcast_in_dim3A_28 = arith.constant 0x7F800000 : f32
    %broadcast_in_dim3A_29 = vector.broadcast %broadcast_in_dim3A_28 : f32 to vector<4x64x128xf32>
    %broadcast_in_dim3A_30 = arith.constant 0 : i32
    %broadcast_in_dim3A_31 = vector.broadcast %broadcast_in_dim3A_30 : i32 to vector<4x64x128xi32>
    %slice3A_32 = vector.extract_strided_slice %while3A_27#0 {offsets = [0, 63, 0], sizes = [4, 1, 128], strides = [1, 1, 1]} : vector<4x64x128xf32> to vector<4x1x128xf32>
    %slice3A_33 = vector.extract_strided_slice %while3A_27#0 {offsets = [0, 0, 0], sizes = [4, 63, 128], strides = [1, 1, 1]} : vector<4x64x128xf32> to vector<4x63x128xf32>
    %concatenate3A_34 = tpu.concatenate %slice3A_32, %slice3A_33 in 1 : vector<4x1x128xf32>, vector<4x63x128xf32> -> vector<4x64x128xf32>
    %slice3A_35 = vector.extract_strided_slice %concatenate3A_34 {offsets = [0, 0, 127], sizes = [4, 64, 1], strides = [1, 1, 1]} : vector<4x64x128xf32> to vector<4x64x1xf32>
    %slice3A_36 = vector.extract_strided_slice %concatenate3A_34 {offsets = [0, 0, 0], sizes = [4, 64, 127], strides = [1, 1, 1]} : vector<4x64x128xf32> to vector<4x64x127xf32>
    %concatenate3A_37 = tpu.concatenate %slice3A_35, %slice3A_36 in 2 : vector<4x64x1xf32>, vector<4x64x127xf32> -> vector<4x64x128xf32>
    %add3A_38 = arith.constant -1 : i32
    %add3A_39 = vector.broadcast %add3A_38 : i32 to vector<4x64x128xi32>
    %add3A_40 = arith.addi %iota3A, %add3A_39 : vector<4x64x128xi32>
    %ge3A = arith.constant 0 : i32
    %ge3A_41 = vector.broadcast %ge3A : i32 to vector<4x64x128xi32>
    %ge3A_42 = arith.cmpi sge, %add3A_40, %ge3A_41 : vector<4x64x128xi32>
    %add3A_43 = arith.constant -1 : i32
    %add3A_44 = vector.broadcast %add3A_43 : i32 to vector<4x64x128xi32>
    %add3A_45 = arith.addi %iota3A, %add3A_44 : vector<4x64x128xi32>
    %le3A = arith.constant 63 : i32
    %le3A_46 = vector.broadcast %le3A : i32 to vector<4x64x128xi32>
    %le3A_47 = arith.cmpi sle, %add3A_45, %le3A_46 : vector<4x64x128xi32>
    %and3A_48 = arith.andi %ge3A_42, %le3A_47 : vector<4x64x128xi1>
    %add3A_49 = arith.constant -1 : i32
    %add3A_50 = vector.broadcast %add3A_49 : i32 to vector<4x64x128xi32>
    %add3A_51 = arith.addi %and3A_7, %add3A_50 : vector<4x64x128xi32>
    %ge3A_52 = arith.constant 0 : i32
    %ge3A_53 = vector.broadcast %ge3A_52 : i32 to vector<4x64x128xi32>
    %ge3A_54 = arith.cmpi sge, %add3A_51, %ge3A_53 : vector<4x64x128xi32>
    %and3A_55 = arith.andi %and3A_48, %ge3A_54 : vector<4x64x128xi1>
    %add3A_56 = arith.constant -1 : i32
    %add3A_57 = vector.broadcast %add3A_56 : i32 to vector<4x64x128xi32>
    %add3A_58 = arith.addi %and3A_7, %add3A_57 : vector<4x64x128xi32>
    %le3A_59 = arith.constant 63 : i32
    %le3A_60 = vector.broadcast %le3A_59 : i32 to vector<4x64x128xi32>
    %le3A_61 = arith.cmpi sle, %add3A_58, %le3A_60 : vector<4x64x128xi32>
    %and3A_62 = arith.andi %and3A_55, %le3A_61 : vector<4x64x128xi1>
    %jit3A_63 = arith.constant 0x7F800000 : f32
    %broadcast_in_dim3A_64 = vector.broadcast %jit3A_63 : f32 to vector<4x64x128xf32>
    %select_n3A_65 = arith.select %and3A_62, %concatenate3A_37, %broadcast_in_dim3A_64 : vector<4x64x128xi1>, vector<4x64x128xf32>
    %lt3A = arith.cmpf olt, %select_n3A_65, %broadcast_in_dim3A_29 : vector<4x64x128xf32>
    %jit3A_66 = arith.constant -65 : i32
    %broadcast_in_dim3A_67 = vector.broadcast %jit3A_66 : i32 to vector<4x64x128xi32>
    %select_n3A_68 = arith.select %lt3A, %broadcast_in_dim3A_67, %broadcast_in_dim3A_31 : vector<4x64x128xi1>, vector<4x64x128xi32>
    %min3A = arith.minimumf %broadcast_in_dim3A_29, %select_n3A_65 : vector<4x64x128xf32>
    %slice3A_69 = vector.extract_strided_slice %while3A_27#0 {offsets = [0, 63, 0], sizes = [4, 1, 128], strides = [1, 1, 1]} : vector<4x64x128xf32> to vector<4x1x128xf32>
    %slice3A_70 = vector.extract_strided_slice %while3A_27#0 {offsets = [0, 0, 0], sizes = [4, 63, 128], strides = [1, 1, 1]} : vector<4x64x128xf32> to vector<4x63x128xf32>
    %concatenate3A_71 = tpu.concatenate %slice3A_69, %slice3A_70 in 1 : vector<4x1x128xf32>, vector<4x63x128xf32> -> vector<4x64x128xf32>
    %add3A_72 = arith.constant -1 : i32
    %add3A_73 = vector.broadcast %add3A_72 : i32 to vector<4x64x128xi32>
    %add3A_74 = arith.addi %iota3A, %add3A_73 : vector<4x64x128xi32>
    %ge3A_75 = arith.constant 0 : i32
    %ge3A_76 = vector.broadcast %ge3A_75 : i32 to vector<4x64x128xi32>
    %ge3A_77 = arith.cmpi sge, %add3A_74, %ge3A_76 : vector<4x64x128xi32>
    %add3A_78 = arith.constant -1 : i32
    %add3A_79 = vector.broadcast %add3A_78 : i32 to vector<4x64x128xi32>
    %add3A_80 = arith.addi %iota3A, %add3A_79 : vector<4x64x128xi32>
    %le3A_81 = arith.constant 63 : i32
    %le3A_82 = vector.broadcast %le3A_81 : i32 to vector<4x64x128xi32>
    %le3A_83 = arith.cmpi sle, %add3A_80, %le3A_82 : vector<4x64x128xi32>
    %and3A_84 = arith.andi %ge3A_77, %le3A_83 : vector<4x64x128xi1>
    %add3A_85 = arith.constant 0 : i32
    %add3A_86 = vector.broadcast %add3A_85 : i32 to vector<4x64x128xi32>
    %add3A_87 = arith.addi %and3A_7, %add3A_86 : vector<4x64x128xi32>
    %ge3A_88 = arith.constant 0 : i32
    %ge3A_89 = vector.broadcast %ge3A_88 : i32 to vector<4x64x128xi32>
    %ge3A_90 = arith.cmpi sge, %add3A_87, %ge3A_89 : vector<4x64x128xi32>
    %and3A_91 = arith.andi %and3A_84, %ge3A_90 : vector<4x64x128xi1>
    %add3A_92 = arith.constant 0 : i32
    %add3A_93 = vector.broadcast %add3A_92 : i32 to vector<4x64x128xi32>
    %add3A_94 = arith.addi %and3A_7, %add3A_93 : vector<4x64x128xi32>
    %le3A_95 = arith.constant 63 : i32
    %le3A_96 = vector.broadcast %le3A_95 : i32 to vector<4x64x128xi32>
    %le3A_97 = arith.cmpi sle, %add3A_94, %le3A_96 : vector<4x64x128xi32>
    %and3A_98 = arith.andi %and3A_91, %le3A_97 : vector<4x64x128xi1>
    %jit3A_99 = arith.constant 0x7F800000 : f32
    %broadcast_in_dim3A_100 = vector.broadcast %jit3A_99 : f32 to vector<4x64x128xf32>
    %select_n3A_101 = arith.select %and3A_98, %concatenate3A_71, %broadcast_in_dim3A_100 : vector<4x64x128xi1>, vector<4x64x128xf32>
    %lt3A_102 = arith.cmpf olt, %select_n3A_101, %min3A : vector<4x64x128xf32>
    %jit3A_103 = arith.constant -64 : i32
    %broadcast_in_dim3A_104 = vector.broadcast %jit3A_103 : i32 to vector<4x64x128xi32>
    %select_n3A_105 = arith.select %lt3A_102, %broadcast_in_dim3A_104, %select_n3A_68 : vector<4x64x128xi1>, vector<4x64x128xi32>
    %min3A_106 = arith.minimumf %min3A, %select_n3A_101 : vector<4x64x128xf32>
    %slice3A_107 = vector.extract_strided_slice %while3A_27#0 {offsets = [0, 63, 0], sizes = [4, 1, 128], strides = [1, 1, 1]} : vector<4x64x128xf32> to vector<4x1x128xf32>
    %slice3A_108 = vector.extract_strided_slice %while3A_27#0 {offsets = [0, 0, 0], sizes = [4, 63, 128], strides = [1, 1, 1]} : vector<4x64x128xf32> to vector<4x63x128xf32>
    %concatenate3A_109 = tpu.concatenate %slice3A_107, %slice3A_108 in 1 : vector<4x1x128xf32>, vector<4x63x128xf32> -> vector<4x64x128xf32>
    %slice3A_110 = vector.extract_strided_slice %concatenate3A_109 {offsets = [0, 0, 1], sizes = [4, 64, 127], strides = [1, 1, 1]} : vector<4x64x128xf32> to vector<4x64x127xf32>
    %slice3A_111 = vector.extract_strided_slice %concatenate3A_109 {offsets = [0, 0, 0], sizes = [4, 64, 1], strides = [1, 1, 1]} : vector<4x64x128xf32> to vector<4x64x1xf32>
    %concatenate3A_112 = tpu.concatenate %slice3A_110, %slice3A_111 in 2 : vector<4x64x127xf32>, vector<4x64x1xf32> -> vector<4x64x128xf32>
    %add3A_113 = arith.constant -1 : i32
    %add3A_114 = vector.broadcast %add3A_113 : i32 to vector<4x64x128xi32>
    %add3A_115 = arith.addi %iota3A, %add3A_114 : vector<4x64x128xi32>
    %ge3A_116 = arith.constant 0 : i32
    %ge3A_117 = vector.broadcast %ge3A_116 : i32 to vector<4x64x128xi32>
    %ge3A_118 = arith.cmpi sge, %add3A_115, %ge3A_117 : vector<4x64x128xi32>
    %add3A_119 = arith.constant -1 : i32
    %add3A_120 = vector.broadcast %add3A_119 : i32 to vector<4x64x128xi32>
    %add3A_121 = arith.addi %iota3A, %add3A_120 : vector<4x64x128xi32>
    %le3A_122 = arith.constant 63 : i32
    %le3A_123 = vector.broadcast %le3A_122 : i32 to vector<4x64x128xi32>
    %le3A_124 = arith.cmpi sle, %add3A_121, %le3A_123 : vector<4x64x128xi32>
    %and3A_125 = arith.andi %ge3A_118, %le3A_124 : vector<4x64x128xi1>
    %add3A_126 = arith.constant 1 : i32
    %add3A_127 = vector.broadcast %add3A_126 : i32 to vector<4x64x128xi32>
    %add3A_128 = arith.addi %and3A_7, %add3A_127 : vector<4x64x128xi32>
    %ge3A_129 = arith.constant 0 : i32
    %ge3A_130 = vector.broadcast %ge3A_129 : i32 to vector<4x64x128xi32>
    %ge3A_131 = arith.cmpi sge, %add3A_128, %ge3A_130 : vector<4x64x128xi32>
    %and3A_132 = arith.andi %and3A_125, %ge3A_131 : vector<4x64x128xi1>
    %add3A_133 = arith.constant 1 : i32
    %add3A_134 = vector.broadcast %add3A_133 : i32 to vector<4x64x128xi32>
    %add3A_135 = arith.addi %and3A_7, %add3A_134 : vector<4x64x128xi32>
    %le3A_136 = arith.constant 63 : i32
    %le3A_137 = vector.broadcast %le3A_136 : i32 to vector<4x64x128xi32>
    %le3A_138 = arith.cmpi sle, %add3A_135, %le3A_137 : vector<4x64x128xi32>
    %and3A_139 = arith.andi %and3A_132, %le3A_138 : vector<4x64x128xi1>
    %jit3A_140 = arith.constant 0x7F800000 : f32
    %broadcast_in_dim3A_141 = vector.broadcast %jit3A_140 : f32 to vector<4x64x128xf32>
    %select_n3A_142 = arith.select %and3A_139, %concatenate3A_112, %broadcast_in_dim3A_141 : vector<4x64x128xi1>, vector<4x64x128xf32>
    %lt3A_143 = arith.cmpf olt, %select_n3A_142, %min3A_106 : vector<4x64x128xf32>
    %jit3A_144 = arith.constant -63 : i32
    %broadcast_in_dim3A_145 = vector.broadcast %jit3A_144 : i32 to vector<4x64x128xi32>
    %select_n3A_146 = arith.select %lt3A_143, %broadcast_in_dim3A_145, %select_n3A_105 : vector<4x64x128xi1>, vector<4x64x128xi32>
    %min3A_147 = arith.minimumf %min3A_106, %select_n3A_142 : vector<4x64x128xf32>
    %slice3A_148 = vector.extract_strided_slice %while3A_27#0 {offsets = [0, 0, 127], sizes = [4, 64, 1], strides = [1, 1, 1]} : vector<4x64x128xf32> to vector<4x64x1xf32>
    %slice3A_149 = vector.extract_strided_slice %while3A_27#0 {offsets = [0, 0, 0], sizes = [4, 64, 127], strides = [1, 1, 1]} : vector<4x64x128xf32> to vector<4x64x127xf32>
    %concatenate3A_150 = tpu.concatenate %slice3A_148, %slice3A_149 in 2 : vector<4x64x1xf32>, vector<4x64x127xf32> -> vector<4x64x128xf32>
    %add3A_151 = arith.constant 0 : i32
    %add3A_152 = vector.broadcast %add3A_151 : i32 to vector<4x64x128xi32>
    %add3A_153 = arith.addi %iota3A, %add3A_152 : vector<4x64x128xi32>
    %ge3A_154 = arith.constant 0 : i32
    %ge3A_155 = vector.broadcast %ge3A_154 : i32 to vector<4x64x128xi32>
    %ge3A_156 = arith.cmpi sge, %add3A_153, %ge3A_155 : vector<4x64x128xi32>
    %add3A_157 = arith.constant 0 : i32
    %add3A_158 = vector.broadcast %add3A_157 : i32 to vector<4x64x128xi32>
    %add3A_159 = arith.addi %iota3A, %add3A_158 : vector<4x64x128xi32>
    %le3A_160 = arith.constant 63 : i32
    %le3A_161 = vector.broadcast %le3A_160 : i32 to vector<4x64x128xi32>
    %le3A_162 = arith.cmpi sle, %add3A_159, %le3A_161 : vector<4x64x128xi32>
    %and3A_163 = arith.andi %ge3A_156, %le3A_162 : vector<4x64x128xi1>
    %add3A_164 = arith.constant -1 : i32
    %add3A_165 = vector.broadcast %add3A_164 : i32 to vector<4x64x128xi32>
    %add3A_166 = arith.addi %and3A_7, %add3A_165 : vector<4x64x128xi32>
    %ge3A_167 = arith.constant 0 : i32
    %ge3A_168 = vector.broadcast %ge3A_167 : i32 to vector<4x64x128xi32>
    %ge3A_169 = arith.cmpi sge, %add3A_166, %ge3A_168 : vector<4x64x128xi32>
    %and3A_170 = arith.andi %and3A_163, %ge3A_169 : vector<4x64x128xi1>
    %add3A_171 = arith.constant -1 : i32
    %add3A_172 = vector.broadcast %add3A_171 : i32 to vector<4x64x128xi32>
    %add3A_173 = arith.addi %and3A_7, %add3A_172 : vector<4x64x128xi32>
    %le3A_174 = arith.constant 63 : i32
    %le3A_175 = vector.broadcast %le3A_174 : i32 to vector<4x64x128xi32>
    %le3A_176 = arith.cmpi sle, %add3A_173, %le3A_175 : vector<4x64x128xi32>
    %and3A_177 = arith.andi %and3A_170, %le3A_176 : vector<4x64x128xi1>
    %jit3A_178 = arith.constant 0x7F800000 : f32
    %broadcast_in_dim3A_179 = vector.broadcast %jit3A_178 : f32 to vector<4x64x128xf32>
    %select_n3A_180 = arith.select %and3A_177, %concatenate3A_150, %broadcast_in_dim3A_179 : vector<4x64x128xi1>, vector<4x64x128xf32>
    %lt3A_181 = arith.cmpf olt, %select_n3A_180, %min3A_147 : vector<4x64x128xf32>
    %jit3A_182 = arith.constant -1 : i32
    %broadcast_in_dim3A_183 = vector.broadcast %jit3A_182 : i32 to vector<4x64x128xi32>
    %select_n3A_184 = arith.select %lt3A_181, %broadcast_in_dim3A_183, %select_n3A_146 : vector<4x64x128xi1>, vector<4x64x128xi32>
    %min3A_185 = arith.minimumf %min3A_147, %select_n3A_180 : vector<4x64x128xf32>
    %slice3A_186 = vector.extract_strided_slice %while3A_27#0 {offsets = [0, 0, 1], sizes = [4, 64, 127], strides = [1, 1, 1]} : vector<4x64x128xf32> to vector<4x64x127xf32>
    %slice3A_187 = vector.extract_strided_slice %while3A_27#0 {offsets = [0, 0, 0], sizes = [4, 64, 1], strides = [1, 1, 1]} : vector<4x64x128xf32> to vector<4x64x1xf32>
    %concatenate3A_188 = tpu.concatenate %slice3A_186, %slice3A_187 in 2 : vector<4x64x127xf32>, vector<4x64x1xf32> -> vector<4x64x128xf32>
    %add3A_189 = arith.constant 0 : i32
    %add3A_190 = vector.broadcast %add3A_189 : i32 to vector<4x64x128xi32>
    %add3A_191 = arith.addi %iota3A, %add3A_190 : vector<4x64x128xi32>
    %ge3A_192 = arith.constant 0 : i32
    %ge3A_193 = vector.broadcast %ge3A_192 : i32 to vector<4x64x128xi32>
    %ge3A_194 = arith.cmpi sge, %add3A_191, %ge3A_193 : vector<4x64x128xi32>
    %add3A_195 = arith.constant 0 : i32
    %add3A_196 = vector.broadcast %add3A_195 : i32 to vector<4x64x128xi32>
    %add3A_197 = arith.addi %iota3A, %add3A_196 : vector<4x64x128xi32>
    %le3A_198 = arith.constant 63 : i32
    %le3A_199 = vector.broadcast %le3A_198 : i32 to vector<4x64x128xi32>
    %le3A_200 = arith.cmpi sle, %add3A_197, %le3A_199 : vector<4x64x128xi32>
    %and3A_201 = arith.andi %ge3A_194, %le3A_200 : vector<4x64x128xi1>
    %add3A_202 = arith.constant 1 : i32
    %add3A_203 = vector.broadcast %add3A_202 : i32 to vector<4x64x128xi32>
    %add3A_204 = arith.addi %and3A_7, %add3A_203 : vector<4x64x128xi32>
    %ge3A_205 = arith.constant 0 : i32
    %ge3A_206 = vector.broadcast %ge3A_205 : i32 to vector<4x64x128xi32>
    %ge3A_207 = arith.cmpi sge, %add3A_204, %ge3A_206 : vector<4x64x128xi32>
    %and3A_208 = arith.andi %and3A_201, %ge3A_207 : vector<4x64x128xi1>
    %add3A_209 = arith.constant 1 : i32
    %add3A_210 = vector.broadcast %add3A_209 : i32 to vector<4x64x128xi32>
    %add3A_211 = arith.addi %and3A_7, %add3A_210 : vector<4x64x128xi32>
    %le3A_212 = arith.constant 63 : i32
    %le3A_213 = vector.broadcast %le3A_212 : i32 to vector<4x64x128xi32>
    %le3A_214 = arith.cmpi sle, %add3A_211, %le3A_213 : vector<4x64x128xi32>
    %and3A_215 = arith.andi %and3A_208, %le3A_214 : vector<4x64x128xi1>
    %jit3A_216 = arith.constant 0x7F800000 : f32
    %broadcast_in_dim3A_217 = vector.broadcast %jit3A_216 : f32 to vector<4x64x128xf32>
    %select_n3A_218 = arith.select %and3A_215, %concatenate3A_188, %broadcast_in_dim3A_217 : vector<4x64x128xi1>, vector<4x64x128xf32>
    %lt3A_219 = arith.cmpf olt, %select_n3A_218, %min3A_185 : vector<4x64x128xf32>
    %jit3A_220 = arith.constant 1 : i32
    %broadcast_in_dim3A_221 = vector.broadcast %jit3A_220 : i32 to vector<4x64x128xi32>
    %select_n3A_222 = arith.select %lt3A_219, %broadcast_in_dim3A_221, %select_n3A_184 : vector<4x64x128xi1>, vector<4x64x128xi32>
    %min3A_223 = arith.minimumf %min3A_185, %select_n3A_218 : vector<4x64x128xf32>
    %slice3A_224 = vector.extract_strided_slice %while3A_27#0 {offsets = [0, 1, 0], sizes = [4, 63, 128], strides = [1, 1, 1]} : vector<4x64x128xf32> to vector<4x63x128xf32>
    %slice3A_225 = vector.extract_strided_slice %while3A_27#0 {offsets = [0, 0, 0], sizes = [4, 1, 128], strides = [1, 1, 1]} : vector<4x64x128xf32> to vector<4x1x128xf32>
    %concatenate3A_226 = tpu.concatenate %slice3A_224, %slice3A_225 in 1 : vector<4x63x128xf32>, vector<4x1x128xf32> -> vector<4x64x128xf32>
    %slice3A_227 = vector.extract_strided_slice %concatenate3A_226 {offsets = [0, 0, 127], sizes = [4, 64, 1], strides = [1, 1, 1]} : vector<4x64x128xf32> to vector<4x64x1xf32>
    %slice3A_228 = vector.extract_strided_slice %concatenate3A_226 {offsets = [0, 0, 0], sizes = [4, 64, 127], strides = [1, 1, 1]} : vector<4x64x128xf32> to vector<4x64x127xf32>
    %concatenate3A_229 = tpu.concatenate %slice3A_227, %slice3A_228 in 2 : vector<4x64x1xf32>, vector<4x64x127xf32> -> vector<4x64x128xf32>
    %add3A_230 = arith.constant 1 : i32
    %add3A_231 = vector.broadcast %add3A_230 : i32 to vector<4x64x128xi32>
    %add3A_232 = arith.addi %iota3A, %add3A_231 : vector<4x64x128xi32>
    %ge3A_233 = arith.constant 0 : i32
    %ge3A_234 = vector.broadcast %ge3A_233 : i32 to vector<4x64x128xi32>
    %ge3A_235 = arith.cmpi sge, %add3A_232, %ge3A_234 : vector<4x64x128xi32>
    %add3A_236 = arith.constant 1 : i32
    %add3A_237 = vector.broadcast %add3A_236 : i32 to vector<4x64x128xi32>
    %add3A_238 = arith.addi %iota3A, %add3A_237 : vector<4x64x128xi32>
    %le3A_239 = arith.constant 63 : i32
    %le3A_240 = vector.broadcast %le3A_239 : i32 to vector<4x64x128xi32>
    %le3A_241 = arith.cmpi sle, %add3A_238, %le3A_240 : vector<4x64x128xi32>
    %and3A_242 = arith.andi %ge3A_235, %le3A_241 : vector<4x64x128xi1>
    %add3A_243 = arith.constant -1 : i32
    %add3A_244 = vector.broadcast %add3A_243 : i32 to vector<4x64x128xi32>
    %add3A_245 = arith.addi %and3A_7, %add3A_244 : vector<4x64x128xi32>
    %ge3A_246 = arith.constant 0 : i32
    %ge3A_247 = vector.broadcast %ge3A_246 : i32 to vector<4x64x128xi32>
    %ge3A_248 = arith.cmpi sge, %add3A_245, %ge3A_247 : vector<4x64x128xi32>
    %and3A_249 = arith.andi %and3A_242, %ge3A_248 : vector<4x64x128xi1>
    %add3A_250 = arith.constant -1 : i32
    %add3A_251 = vector.broadcast %add3A_250 : i32 to vector<4x64x128xi32>
    %add3A_252 = arith.addi %and3A_7, %add3A_251 : vector<4x64x128xi32>
    %le3A_253 = arith.constant 63 : i32
    %le3A_254 = vector.broadcast %le3A_253 : i32 to vector<4x64x128xi32>
    %le3A_255 = arith.cmpi sle, %add3A_252, %le3A_254 : vector<4x64x128xi32>
    %and3A_256 = arith.andi %and3A_249, %le3A_255 : vector<4x64x128xi1>
    %jit3A_257 = arith.constant 0x7F800000 : f32
    %broadcast_in_dim3A_258 = vector.broadcast %jit3A_257 : f32 to vector<4x64x128xf32>
    %select_n3A_259 = arith.select %and3A_256, %concatenate3A_229, %broadcast_in_dim3A_258 : vector<4x64x128xi1>, vector<4x64x128xf32>
    %lt3A_260 = arith.cmpf olt, %select_n3A_259, %min3A_223 : vector<4x64x128xf32>
    %jit3A_261 = arith.constant 63 : i32
    %broadcast_in_dim3A_262 = vector.broadcast %jit3A_261 : i32 to vector<4x64x128xi32>
    %select_n3A_263 = arith.select %lt3A_260, %broadcast_in_dim3A_262, %select_n3A_222 : vector<4x64x128xi1>, vector<4x64x128xi32>
    %min3A_264 = arith.minimumf %min3A_223, %select_n3A_259 : vector<4x64x128xf32>
    %slice3A_265 = vector.extract_strided_slice %while3A_27#0 {offsets = [0, 1, 0], sizes = [4, 63, 128], strides = [1, 1, 1]} : vector<4x64x128xf32> to vector<4x63x128xf32>
    %slice3A_266 = vector.extract_strided_slice %while3A_27#0 {offsets = [0, 0, 0], sizes = [4, 1, 128], strides = [1, 1, 1]} : vector<4x64x128xf32> to vector<4x1x128xf32>
    %concatenate3A_267 = tpu.concatenate %slice3A_265, %slice3A_266 in 1 : vector<4x63x128xf32>, vector<4x1x128xf32> -> vector<4x64x128xf32>
    %add3A_268 = arith.constant 1 : i32
    %add3A_269 = vector.broadcast %add3A_268 : i32 to vector<4x64x128xi32>
    %add3A_270 = arith.addi %iota3A, %add3A_269 : vector<4x64x128xi32>
    %ge3A_271 = arith.constant 0 : i32
    %ge3A_272 = vector.broadcast %ge3A_271 : i32 to vector<4x64x128xi32>
    %ge3A_273 = arith.cmpi sge, %add3A_270, %ge3A_272 : vector<4x64x128xi32>
    %add3A_274 = arith.constant 1 : i32
    %add3A_275 = vector.broadcast %add3A_274 : i32 to vector<4x64x128xi32>
    %add3A_276 = arith.addi %iota3A, %add3A_275 : vector<4x64x128xi32>
    %le3A_277 = arith.constant 63 : i32
    %le3A_278 = vector.broadcast %le3A_277 : i32 to vector<4x64x128xi32>
    %le3A_279 = arith.cmpi sle, %add3A_276, %le3A_278 : vector<4x64x128xi32>
    %and3A_280 = arith.andi %ge3A_273, %le3A_279 : vector<4x64x128xi1>
    %add3A_281 = arith.constant 0 : i32
    %add3A_282 = vector.broadcast %add3A_281 : i32 to vector<4x64x128xi32>
    %add3A_283 = arith.addi %and3A_7, %add3A_282 : vector<4x64x128xi32>
    %ge3A_284 = arith.constant 0 : i32
    %ge3A_285 = vector.broadcast %ge3A_284 : i32 to vector<4x64x128xi32>
    %ge3A_286 = arith.cmpi sge, %add3A_283, %ge3A_285 : vector<4x64x128xi32>
    %and3A_287 = arith.andi %and3A_280, %ge3A_286 : vector<4x64x128xi1>
    %add3A_288 = arith.constant 0 : i32
    %add3A_289 = vector.broadcast %add3A_288 : i32 to vector<4x64x128xi32>
    %add3A_290 = arith.addi %and3A_7, %add3A_289 : vector<4x64x128xi32>
    %le3A_291 = arith.constant 63 : i32
    %le3A_292 = vector.broadcast %le3A_291 : i32 to vector<4x64x128xi32>
    %le3A_293 = arith.cmpi sle, %add3A_290, %le3A_292 : vector<4x64x128xi32>
    %and3A_294 = arith.andi %and3A_287, %le3A_293 : vector<4x64x128xi1>
    %jit3A_295 = arith.constant 0x7F800000 : f32
    %broadcast_in_dim3A_296 = vector.broadcast %jit3A_295 : f32 to vector<4x64x128xf32>
    %select_n3A_297 = arith.select %and3A_294, %concatenate3A_267, %broadcast_in_dim3A_296 : vector<4x64x128xi1>, vector<4x64x128xf32>
    %lt3A_298 = arith.cmpf olt, %select_n3A_297, %min3A_264 : vector<4x64x128xf32>
    %jit3A_299 = arith.constant 64 : i32
    %broadcast_in_dim3A_300 = vector.broadcast %jit3A_299 : i32 to vector<4x64x128xi32>
    %select_n3A_301 = arith.select %lt3A_298, %broadcast_in_dim3A_300, %select_n3A_263 : vector<4x64x128xi1>, vector<4x64x128xi32>
    %min3A_302 = arith.minimumf %min3A_264, %select_n3A_297 : vector<4x64x128xf32>
    %slice3A_303 = vector.extract_strided_slice %while3A_27#0 {offsets = [0, 1, 0], sizes = [4, 63, 128], strides = [1, 1, 1]} : vector<4x64x128xf32> to vector<4x63x128xf32>
    %slice3A_304 = vector.extract_strided_slice %while3A_27#0 {offsets = [0, 0, 0], sizes = [4, 1, 128], strides = [1, 1, 1]} : vector<4x64x128xf32> to vector<4x1x128xf32>
    %concatenate3A_305 = tpu.concatenate %slice3A_303, %slice3A_304 in 1 : vector<4x63x128xf32>, vector<4x1x128xf32> -> vector<4x64x128xf32>
    %slice3A_306 = vector.extract_strided_slice %concatenate3A_305 {offsets = [0, 0, 1], sizes = [4, 64, 127], strides = [1, 1, 1]} : vector<4x64x128xf32> to vector<4x64x127xf32>
    %slice3A_307 = vector.extract_strided_slice %concatenate3A_305 {offsets = [0, 0, 0], sizes = [4, 64, 1], strides = [1, 1, 1]} : vector<4x64x128xf32> to vector<4x64x1xf32>
    %concatenate3A_308 = tpu.concatenate %slice3A_306, %slice3A_307 in 2 : vector<4x64x127xf32>, vector<4x64x1xf32> -> vector<4x64x128xf32>
    %add3A_309 = arith.constant 1 : i32
    %add3A_310 = vector.broadcast %add3A_309 : i32 to vector<4x64x128xi32>
    %add3A_311 = arith.addi %iota3A, %add3A_310 : vector<4x64x128xi32>
    %ge3A_312 = arith.constant 0 : i32
    %ge3A_313 = vector.broadcast %ge3A_312 : i32 to vector<4x64x128xi32>
    %ge3A_314 = arith.cmpi sge, %add3A_311, %ge3A_313 : vector<4x64x128xi32>
    %add3A_315 = arith.constant 1 : i32
    %add3A_316 = vector.broadcast %add3A_315 : i32 to vector<4x64x128xi32>
    %add3A_317 = arith.addi %iota3A, %add3A_316 : vector<4x64x128xi32>
    %le3A_318 = arith.constant 63 : i32
    %le3A_319 = vector.broadcast %le3A_318 : i32 to vector<4x64x128xi32>
    %le3A_320 = arith.cmpi sle, %add3A_317, %le3A_319 : vector<4x64x128xi32>
    %and3A_321 = arith.andi %ge3A_314, %le3A_320 : vector<4x64x128xi1>
    %add3A_322 = arith.constant 1 : i32
    %add3A_323 = vector.broadcast %add3A_322 : i32 to vector<4x64x128xi32>
    %add3A_324 = arith.addi %and3A_7, %add3A_323 : vector<4x64x128xi32>
    %ge3A_325 = arith.constant 0 : i32
    %ge3A_326 = vector.broadcast %ge3A_325 : i32 to vector<4x64x128xi32>
    %ge3A_327 = arith.cmpi sge, %add3A_324, %ge3A_326 : vector<4x64x128xi32>
    %and3A_328 = arith.andi %and3A_321, %ge3A_327 : vector<4x64x128xi1>
    %add3A_329 = arith.constant 1 : i32
    %add3A_330 = vector.broadcast %add3A_329 : i32 to vector<4x64x128xi32>
    %add3A_331 = arith.addi %and3A_7, %add3A_330 : vector<4x64x128xi32>
    %le3A_332 = arith.constant 63 : i32
    %le3A_333 = vector.broadcast %le3A_332 : i32 to vector<4x64x128xi32>
    %le3A_334 = arith.cmpi sle, %add3A_331, %le3A_333 : vector<4x64x128xi32>
    %and3A_335 = arith.andi %and3A_328, %le3A_334 : vector<4x64x128xi1>
    %jit3A_336 = arith.constant 0x7F800000 : f32
    %broadcast_in_dim3A_337 = vector.broadcast %jit3A_336 : f32 to vector<4x64x128xf32>
    %select_n3A_338 = arith.select %and3A_335, %concatenate3A_308, %broadcast_in_dim3A_337 : vector<4x64x128xi1>, vector<4x64x128xf32>
    %lt3A_339 = arith.cmpf olt, %select_n3A_338, %min3A_302 : vector<4x64x128xf32>
    %jit3A_340 = arith.constant 65 : i32
    %broadcast_in_dim3A_341 = vector.broadcast %jit3A_340 : i32 to vector<4x64x128xi32>
    %select_n3A_342 = arith.select %lt3A_339, %broadcast_in_dim3A_341, %select_n3A_301 : vector<4x64x128xi1>, vector<4x64x128xi32>
    %eq3A_343 = arith.constant 0 : i32
    %eq3A_344 = vector.broadcast %eq3A_343 : i32 to vector<4x64x128xi32>
    %eq3A_345 = arith.cmpi eq, %add3A, %eq3A_344 : vector<4x64x128xi32>
    %add3A_346 = arith.addi %add3A, %select_n3A_342 : vector<4x64x128xi32>
    %jit3A_347 = arith.constant 0 : i32
    %broadcast_in_dim3A_348 = vector.broadcast %jit3A_347 : i32 to vector<4x64x128xi32>
    %select_n3A_349 = arith.select %eq3A_345, %broadcast_in_dim3A_348, %add3A_346 : vector<4x64x128xi1>, vector<4x64x128xi32>
    %slice3A_350 = vector.extract_strided_slice %select_n3A_349 {offsets = [0, 0, 0], sizes = [4, 64, 64], strides = [1, 1, 1]} : vector<4x64x128xi32> to vector<4x64x64xi32>
    %slice3A_351 = vector.extract_strided_slice %select_n3A_349 {offsets = [0, 0, 64], sizes = [4, 64, 64], strides = [1, 1, 1]} : vector<4x64x128xi32> to vector<4x64x64xi32>
    %stack3A = vector.shape_cast %slice3A_350 : vector<4x64x64xi32> to vector<4x1x64x64xi32>
    %stack3A_352 = vector.shape_cast %slice3A_351 : vector<4x64x64xi32> to vector<4x1x64x64xi32>
    %stack3A_353 = tpu.concatenate %stack3A, %stack3A_352 in 1 : vector<4x1x64x64xi32>, vector<4x1x64x64xi32> -> vector<4x2x64x64xi32>
    %reshape3A_354 = vector.shape_cast %stack3A_353 : vector<4x2x64x64xi32> to vector<8x64x64xi32>
    %swap3A = arith.constant 0 : index
    %swap3A_355 = arith.constant 0 : index
    %swap3A_356 = arith.constant 0 : index
    %swap3A_357 = vector.load %arg1[%swap3A, %swap3A_355, %swap3A_356] : memref<8x64x64xi32, #tpu.memory_space<vmem>>, vector<8x64x64xi32>
    tpu.vector_store %arg1[%swap3A, %swap3A_355, %swap3A_356], %reshape3A_354 {strides = array<i32>} : memref<8x64x64xi32, #tpu.memory_space<vmem>>, vector<8x64x64xi32>,
    return
  }
}

</mosaic_0001>

<sc_bundles>
// kernel: kernel.4.cloned.1.call-start
scs
__scs_entry_jumppad:
0x0: {  	(pc) =	sbr.rel $0x88, $3  }
0x1: {  	(tag) =	ssettag $0x0;
	lr =	simm.s32 $0x1  }
0x2: {  	[smem:$0x3FA0] =	sst lr;
	_ =	strace $0xD0000000  }
0x3: {  	_ = 	snop  }
0x4: {  	_ = 	snop  }
0x5: {  	_ = 	snop  }
0x6: {  	_ = 	snop  }
0x7: {  	_ = 	snop  }
__scs_overlays_trampoline_lowered:
0x8: {  	[smem:$0x3FAF] =	sst s0  }
0x9: {  	[smem:$0x3FB0] =	sst s1  }
0xa: {  	[smem:$0x3FB1] =	sst s2  }
0xb: {  	[smem:$0x3FB2] =	sst s3  }
0xc: {  	[smem:$0x3FB3] =	sst s4  }
0xd: {  	[smem:$0x3FB4] =	sst s5  }
0xe: {  	[smem:$0x3FB5] =	sst s6  }
0xf: {  	[smem:$0x3FB6] =	sst s7  }
0x10: {  	[smem:$0x3FB7] =	sst s8  }
0x11: {  	[smem:$0x3FB8] =	sst s9;
	s0 =	simm.s32 @!p0 $0x0  }
0x12: {  	s1 =	sld [smem:$0x3F9E];
	s0 =	simm.s32 @p0 $0x1  }
0x13: {  	[smem:$0x3FB9] =	sst s0;
	s0 =	simm.s32 @!p1 $0x0  }
0x14: {  	s2 =	sld [smem:$0x3F9D];
	s0 =	simm.s32 @p1 $0x1  }
0x15: {  	[smem:$0x3FBA] =	sst s0;
	s0 =	simm.s32 @!p2 $0x0  }
0x16: {  	s3 =	sld [smem:$0x3FDB];
	s0 =	simm.s32 @p2 $0x1  }
0x17: {  	s4 =	simm.s32 $0x1BF5;
	[smem:$0x3FBC] =	sst s0  }
0x18: {  	s0 =	sld [smem:$0x3F9F];
	_ =	swait.ge [sflag:s4], $0x0  }
0x19: {  	s7 =	sld [smem:$0x3FA0]  }
0x1a: {  	s8 =	sadd.s32 $0xFFFFE003, lr  }
0x1b: {  	s9 =	sadd.s32 $0xFFFFFEF7, lr;
	s5 =	simm.s32 $0xFFFFFFFF;
	p2 =	slt.u32 s8, $0xFFFFF086  }
0x1c: {  	p1 =	slt.u32 s9, $0xF7A;
	s5 =	simm.s32 @!p2 $0x0  }
0x1d: {  	s5 =	simm.s32 @p1 $0x1;
	p0 =	seq.s32 s7, s2  }
0x1e: {  	s7 =	smul.u32 @!p0 $0xF7A, s2;
	p2 =	seq.s32 @!p0 s5, $0x0  }
0x1f: {  	s9 =	smul.u32 $0xF7A, s1;
	s8 =	simm.s32 @!p0 $0x1BF5;
	p2 =	por !p2, p0  }
0x20: {  	[sflag:s8] =	ssyncset.s32 @!p0 $0xFFFFF086;
	s6 =	sadd.s32 @!p0 s3, s7;
	s7 =	simm.s32 @!p0 $0x108  }
0x21: {  	s3 =	sadd.s32 s3, s9;
	s6 =	sadd.s32 @!p0 $0x88, s6;
	s7 =	simm.s32 @p2 $0x1082  }
0x22: {  	[simem:s7], [sflag:s8] =	dma.local @!p0 [hbm:s6], $0xF7A  }
0x23: {  	s9 =	sor.u32 $0xD0000000, s2;
	s6 =	simm.s32 $0x108;
	_ =	swait.ge @!p0 [sflag:s8], $0x0  }
0x24: {  	s3 =	sadd.s32 $0x88, s3;
	s6 =	simm.s32 @!p1 $0x1082;
	[sflag:s4] =	ssyncset.s32 $0xFFFFF086  }
0x25: {  	[simem:s6], [sflag:s4] =	dma.local [hbm:s3], $0xF7A  }
0x26: {  	[smem:$0x3FA0] =	sst s1;
	(tag) =	ssettag s2;
	_ =	strace s9  }
0x27: {  	s1 =	sld [smem:$0x3FB0]  }
0x28: {  	s2 =	sld [smem:$0x3FB1]  }
0x29: {  	s4 =	sld [smem:$0x3FB3]  }
0x2a: {  	p0 =	seq.s32 s5, $0x0;
	s5 =	sld [smem:$0x3FB4]  }
0x2b: {  	s6 =	sld [smem:$0x3FB5]  }
0x2c: {  	s7 =	sld [smem:$0x3FB6]  }
0x2d: {  	s3 =	simm.s32 $0x108;
	s8 =	sld [smem:$0x3FB7]  }
0x2e: {  	s3 =	simm.s32 @!p0 $0x1082;
	s9 =	sld [smem:$0x3FB8]  }
0x2f: {  	lr =	sadd.s32 s0, s3;
	s0 =	sld [smem:$0x3FAF]  }
0x30: {  	s3 =	sld [smem:$0x3FB2]  }
0x31: {  	[smem:$0x3FBB] =	sst s10  }
0x32: {  	s10 =	sld [smem:$0x3FB9];
	_ =	sdelay $0x3  }
0x33: {  	p0 =	seq.s32 s10, $0x1;
	s10 =	sld [smem:$0x3FBB];
	_ =	sdelay $0x3  }
0x34: {  	[smem:$0x3FBB] =	sst s10  }
0x35: {  	s10 =	sld [smem:$0x3FBA];
	_ =	sdelay $0x3  }
0x36: {  	p1 =	seq.s32 s10, $0x1;
	s10 =	sld [smem:$0x3FBB];
	_ =	sdelay $0x3  }
0x37: {  	[smem:$0x3FBB] =	sst s10  }
0x38: {  	s10 =	sld [smem:$0x3FBC]  }
0x39: {  	_ = 	snop;
	(pc) =	sbr.ind lr, $3  }
0x3a: {  	_ = 	snop  }
0x3b: {  	_ = 	snop  }
0x3c: {  	p2 =	seq.s32 s10, $0x1;
	s10 =	sld [smem:$0x3FBB]  }
0x3d: {  	_ =	shalt  }
0x3e: {  	_ =	shalt  }
0x3f: {  	_ =	shalt  }
0x40: {  	_ =	shalt  }
0x41: {  	_ =	shalt  }
0x42: {  	_ =	shalt  }
0x43: {  	_ =	shalt  }
0x44: {  	_ =	shalt  }
0x45: {  	_ =	shalt  }
0x46: {  	_ =	shalt  }
0x47: {  	_ =	shalt  }
0x48: {  	_ =	shalt  }
0x49: {  	_ =	shalt  }
0x4a: {  	_ =	shalt  }
0x4b: {  	_ =	shalt  }
0x4c: {  	_ =	shalt  }
0x4d: {  	_ =	shalt  }
0x4e: {  	_ =	shalt  }
0x4f: {  	_ =	shalt  }
0x50: {  	_ =	shalt  }
0x51: {  	_ =	shalt  }
0x52: {  	_ =	shalt  }
0x53: {  	_ =	shalt  }
0x54: {  	_ =	shalt  }
0x55: {  	_ =	shalt  }
0x56: {  	_ =	shalt  }
0x57: {  	_ =	shalt  }
0x58: {  	_ =	shalt  }
0x59: {  	_ =	shalt  }
0x5a: {  	_ =	shalt  }
0x5b: {  	_ =	shalt  }
0x5c: {  	_ =	shalt  }
0x5d: {  	_ =	shalt  }
0x5e: {  	_ =	shalt  }
0x5f: {  	_ =	shalt  }
0x60: {  	_ =	shalt  }
0x61: {  	_ =	shalt  }
0x62: {  	_ =	shalt  }
0x63: {  	_ =	shalt  }
0x64: {  	_ =	shalt  }
0x65: {  	_ =	shalt  }
0x66: {  	_ =	shalt  }
0x67: {  	_ =	shalt  }
0x68: {  	_ =	shalt  }
0x69: {  	_ =	shalt  }
0x6a: {  	_ =	shalt  }
0x6b: {  	_ =	shalt  }
0x6c: {  	_ =	shalt  }
0x6d: {  	_ =	shalt  }
0x6e: {  	_ =	shalt  }
0x6f: {  	_ =	shalt  }
0x70: {  	_ =	shalt  }
0x71: {  	_ =	shalt  }
0x72: {  	_ =	shalt  }
0x73: {  	_ =	shalt  }
0x74: {  	_ =	shalt  }
0x75: {  	_ =	shalt  }
0x76: {  	_ =	shalt  }
0x77: {  	_ =	shalt  }
0x78: {  	_ =	shalt  }
0x79: {  	_ =	shalt  }
0x7a: {  	_ =	shalt  }
0x7b: {  	_ =	shalt  }
0x7c: {  	_ =	shalt  }
0x7d: {  	_ =	shalt  }
0x7e: {  	_ =	shalt  }
0x7f: {  	_ =	shalt  }
0x80: {  	_ =	shalt  }
0x81: {  	_ =	shalt  }
0x82: {  	_ =	shalt  }
0x83: {  	_ =	shalt  }
0x84: {  	_ =	shalt  }
0x85: {  	_ =	shalt  }
0x86: {  	_ =	shalt  }
0x87: {  	_ =	shalt  }
.Lfunc_end0:
.L_simem_size_0:
called_computation_lowered:
.L_overlay_start_0:
0x88: {  	s2 =	sld [smem:$0x3FD9]  }
0x89: {  	s3 =	sld [smem:$0x3FFE];
	_ =	sdelay $0x1  }
0x8a: {  	s1 =	srdreg.scid  }
0x8b: {  	s0 =	sand.u32 $0x1, s1  }
0x8c: {  	s17 =	sshll.u32 s0, $0xA;
	s2 =	sadd.s32 s3, s2  }
0x8d: {  	s2 =	sadd.s32 s2, s17  }
0x8e: {  	[smem:$0x3FC7] =	sst s2  }
0x8f: {  	_ = 	snop  }
0x90: {  	s2 =	sld [smem:$0x3FD0];
	(tm) =	ssettm $0x1  }
0x91: {  	s18 =	sld [smem:$0x3FFB];
	_ =	sdelay $0x3  }
0x92: {  	_ =	strace s18  }
0x93: {  	s3 =	sld [smem:$0x3FFC];
	_ =	sdelay $0x3  }
0x94: {  	_ =	strace s3  }
0x95: {  	s3 =	sld [smem:$0x3FFD];
	_ =	sdelay $0x3  }
0x96: {  	_ =	strace s3  }
0x97: {  	_ =	strace $0x8FFFFFFF  }
0x98: {  	s19 =	sld [smem:$0x3FDB];
	_ =	sdelay $0x1  }
0x99: {  	s4 =	simm.s32 $_scs_section_size  }
0x9a: {  	s5 =	simm.s32 $_size__tile_overlayer_lowered;
	s6 =	simm.s32 $_tile_overlayer_lowered  }
0x9b: {  	s22 =	simm.s32 $0x1BFF;
	s21 =	sshll.u32 s6, $0x1;
	s3 =	sadd.s32 s4, s19  }
0x9c: {  	s7 =	simm.s32 $0x0;
	s20 =	sshll.u32 s5, $0x1;
	s5 =	sadd.s32 s21, s3  }
0x9d: {  	[timem:s7], [sflag:s22] =	dma.local [hbm:s5], s20  }
0x9e: {  	_ =	swait.ge [sflag:s22], s20  }
0x9f: {  	s4 =	ssub.s32 $0x0, s20;
	[sflag:s22] =	ssyncset.done $0x0  }
0xa0: {  	[sflag:s22] =	ssyncadd.s32 s4;
	_ =	sdelay $0x1  }
0xa1: {  	s23 =	simm.s32 $0x1B8B  }
0xa2: {  	_ =	swait.ge [sflag:s23], $0x1  }
0xa3: {  	[sflag:s23] =	ssyncset.done $0x0  }
0xa4: {  	s25 =	simm.s32 $0x1B8E;
	s24 =	sld [smem:$0x3FFE];
	[sflag:s23] =	ssyncadd.s32 $0xFFFFFFFF  }
0xa5: {  	s26 =	simm.s32 $execute0_lowered;
	[smem:$0x3FD2] =	sst s25  }
0xa6: {  	s5 =	sshll.u32 s26, $0x1;
	_ =	strace $0x80000046;
	[dreg:$0x1] =	wrdreg $0xFFFFFFFF  }
0xa7: {  	s28 =	simm.s32 $_size_execute0_lowered;
	s3 =	sadd.s32 s3, s5;
	[dreg:$0x0] =	wrdreg $0x0  }
0xa8: {  	s5 =	sshll.u32 s28, $0x1;
	[dreg:$0x2] =	wrdreg s3  }
0xa9: {  	[dreg:$0x3] =	wrdreg s5  }
0xaa: {  	[dreg:$0x4] =	wrdreg $0xC0  }
0xab: {  	_ =	task [dreg:s7], $0x5FFFF  }
0xac: {  	[dreg:$0x1] =	wrdreg $0xFFFFFFFF  }
0xad: {  	[dreg:$0x0] =	wrdreg $0x60  }
0xae: {  	[dreg:$0x2] =	wrdreg s2  }
0xaf: {  	[dreg:$0x3] =	wrdreg s24  }
0xb0: {  	[dreg:$0x4] =	wrdreg $0x9  }
0xb1: {  	_ =	task.clear_ibuf [dreg:s7], $0x5FFFF;
	_ =	strace $0x90000046  }
0xb2: {  	s29 =	simm.s32 $0x9;
	_ =	strace $0x80000048  }
0xb3: {  	_ =	swait.ge [sflag:s29], $0x1  }
0xb4: {  	[sflag:s29] =	ssyncadd.s32 $0xFFFFFFFF  }
0xb5: {  	_ =	strace $0x90000048  }
0xb6: {  	_ =	sfence  }
0xb7: {  	s30 =	sld [smem:$0x0];
	_ =	sdelay $0x2  }
0xb8: {  	s31 =	sshll.u32 s1, $0xD;
	s1 =	sshrl.u32 s1, $0x2  }
0xb9: {  	s3 =	sand.u32 $0x4000, s31;
	s1 =	sadd.s32 s1, s30  }
0xba: {  	s0 =	sor.u32 s3, s0;
	s1 =	sshll.u32 s1, $0x11  }
0xbb: {  	s0 =	sor.u32 s1, s0  }
0xbc: {  	s0 =	sadd.s32 $0x8F2B, s0  }
0xbd: {  	[sflag:s0] =	ssyncadd.remote.s32 $0x1  }
0xbe: {  	_ =	sfence.sel $0xFFFF  }
0xbf: {  	[dreg:$0x0] =	wrdreg $0xFFFFFFFF;
	(pc) =	sbr.abs _section_cstart, $3  }
0xc0: {  	[dreg:$0x1] =	wrdreg $0xFFFFFFFF  }
0xc1: {  	_ =	task.clear_ibuf [dreg:s7], $0x2FFFF;
	_ =	strace $0x9FFFFFFF  }
0xc2: {  	(tm) =	ssettm $0x7FFFFFFF  }
0xc3: {  	_ =	shalt  }
tec
execute0_lowered:
.L_overlay_start_1:
0x0: {  	(tag) =	ssettag $0x1  }
0x1: {  	s1 =	stileid.u32  }
0x2: {  	p0 =	sgt.u32 s1, $0x3  }
.Ltmp0:
0x3: {  	_ = 	snop;
	(pc) =	sbr.rel @p0 .LBB2_11-.Ltmp0, $4  }
0x4: {  	s4 =	rddreg [dreg:$0x0]  }
0x5: {  	s3 =	rddreg [dreg:$0x1];
	s2 =	simm.s32 $0x0  }
0x6: {  	[smem:$0x7FF] =	sst s2  }
0x7: {  	s0 =	rddreg [dreg:$0x2];
	_ =	strace $0x80000047  }
0x8: {  	s5 =	srdreg.scid;
	s6 =	sshll.u32 s1, $0x5;
	s8 =	simm.s32 $0x1  }
.Ltmp1:
0x9: {  	s9 =	simm.s32 $0x1080;
	s5 =	sand.u32 $0x1, s5;
	(pc) =	sbr.rel .LBB2_2-.Ltmp1, $4  }
0xa: {  	s13 =	simm.s32 $0x80;
	s7 =	sshll.u32 s5, $0x4;
	s5 =	ssub.s32 $0x2, s5  }
0xb: {  	s6 =	sor.u32 s7, s6;
	s31 =	sshrl.u32 s5, $0x1;
	s7 =	simm.s32 $0x400  }
0xc: {  	s3 =	sadd.s32 s6, s3;
	s5 =	ssub.s32 s5, s31;
	s4 =	sadd.s32 s4, s6  }
0xd: {  	v0 =	vimm.f32 $0.0e+00;
	v1 =	vlaneseq.u32;
	s6 =	simm.s32 $0x80;
	s3 =	sadd.s32 $0x600, s3;
	s5 =	smax.u32 s5, $0x1  }
.LBB2_10:
0xe: {  	s2 =	sadd.s32 $0x1, s2  }
0xf: {  	p0 =	sne.s32 s2, s5  }
.Ltmp2:
0x10: {  	_ = 	snop;
	(pc) =	sbr.rel @!p0 .LBB2_11-.Ltmp2, $4  }
0x11: {  	[hbm4b:s3+s6] =	stream.strided.scatter [tilespmem:s9], [sflag:$0x1], $0x1000, s7, s6, $0x38;
	[tilespmem:$0x2100] =	vst v63  }
0x12: {  	_ =	swait.ge [sflag:s8], $0x1000  }
0x13: {  	[sflag:s8] =	ssyncset.done $0x0  }
0x14: {  	[sflag:s8] =	ssyncadd.s32 $0xFFFFF000  }
.LBB2_2:
0x15: {  	s10 =	simm.s32 $0x0  }
0x16: {  	[tilespmem:s10], [sflag:$0x1] =	stream.strided.gather [hbm4b:s4+s6], $0x1000, s7, s6, $0x38;
	[tilespmem:$0x2100] =	vst v63  }
0x17: {  	_ =	swait.ge [sflag:s8], $0x1000  }
0x18: {  	[sflag:s8] =	ssyncset.done $0x0  }
0x19: {  	s11 =	simm.s32 $0x0;
	s10 =	simm.s32 $0x40;
	[sflag:s8] =	ssyncadd.s32 $0xFFFFF000  }
.LBB2_3:
0x1a: {  	p0 =	sne.s32 s10, $0x3FC0;
	[tilespmem:s11+$0x1080] =	vst v0;
	s11 =	smov.u32 s10;
	s10 =	sadd.s32 $0x40, s10  }
.Ltmp3:
0x1b: {  	(pc) =	sbr.rel @p0 .LBB2_3-.Ltmp3, $2  }
0x1c: {  	_ =	sdelay $0x2  }
0x1d: {  	s11 =	sshra.s32 s11, $0x2  }
0x1e: {  	[tilespmem:s11+$0x1080] =	vst v0  }
0x1f: {  	v2 =	vld [tilespmem:$0x207F];
	_ =	sdelay $0x1  }
.Ltmp4:
0x20: {  	_ = 	snop;
	(pc) =	sbr.rel .LBB2_5-.Ltmp4, $4  }
0x21: {  	_ = 	snop  }
0x22: {  	vm0 =	veq.s32 v1, $0x0  }
0x23: {  	s11 =	simm.s32 $0xFFF;
	v2 =	vsel vm0, $0x3F800000, v2  }
0x24: {  	s10 =	simm.s32 $0x0;
	[smem:$0x0] =	sst s11;
	[tilespmem:$0x207F] =	vst v2  }
.LBB2_9:
0x25: {  	s10 =	sadd.s32 $0x1, s10  }
0x26: {  	p0 =	sne.s32 s10, $0x20  }
.Ltmp5:
0x27: {  	_ = 	snop;
	(pc) =	sbr.rel @!p0 .LBB2_10-.Ltmp5, $2  }
0x28: {  	_ =	sdelay $0x2  }
0x29: {  	s11 =	smov.u32 s12  }
.LBB2_5:
0x2a: {  	p0 =	seq.s32 s11, $0x0  }
.Ltmp6:
0x2b: {  	_ = 	snop;
	(pc) =	sbr.rel @p0 .LBB2_9-.Ltmp6, $2  }
0x2c: {  	_ =	sdelay $0x2  }
0x2d: {  	s12 =	simm.s32 $0x0  }
0x2e: {  	v2 =	vld [tilespmem:s11+$0x0];
	s11 =	sadd.s32 $0xFFFFFFFF, s13  }
.LBB2_7:
0x2f: {  	p0 =	sne.s32 s11, $0x1;
	_ =	sdelay $0x3  }
0x30: {  	(v2sf) =	vpush v2, $0x0;
	_ =	sdelay $0xe  }
0x31: {  	s12 =	spop (v2sf)  }
0x32: {  	v2 =	vld [tilespmem:s12+$0x1080];
	_ =	sdelay $0x2  }
.Ltmp7:
0x33: {  	(pc) =	sbr.rel @p0 .LBB2_7-.Ltmp7, $4  }
0x34: {  	vm0 =	veq.s32 v1, $0x0  }
0x35: {  	v2 =	vsel vm0, $0x3F800000, v2  }
0x36: {  	[tilespmem:s12+$0x1080] =	vst v2  }
0x37: {  	s11 =	sadd.s32 $0xFFFFFFFF, s11;
	v2 =	vld [tilespmem:s12+$0x0]  }
0x38: {  	_ =	sdelay $0x3  }
0x39: {  	(v2sf) =	vpush v2, $0x0;
	_ =	sdelay $0xe  }
0x3a: {  	s12 =	spop (v2sf)  }
0x3b: {  	v2 =	vld [tilespmem:s12+$0x1080];
	_ =	sdelay $0x1  }
.Ltmp8:
0x3c: {  	_ = 	snop;
	(pc) =	sbr.rel .LBB2_9-.Ltmp8, $3  }
0x3d: {  	_ =	sdelay $0x1  }
0x3e: {  	v2 =	vsel vm0, $0x3F800000, v2  }
0x3f: {  	[smem:$0x0] =	sst s12;
	[tilespmem:s12+$0x1080] =	vst v2  }
.LBB2_11:
0x40: {  	_ =	sfence.sel $0x180000  }
0x41: {  	[bflag:$0x0] =	sbarrier.arrive $0xFFFF  }
0x42: {  	p0 =	sne.s32 s1, $0x0;
	_ =	strace $0x90000047  }
0x43: {  	s0 =	sadd.s32 @!p0 $0x100000, s0;
	[bflag:$0x2] =	sbarrier.arrive $0xFFFF  }
0x44: {  	[sflag:s0] =	ssyncadd.tile.s32 @!p0 $0x1;
	_ =	shalt  }
.Lfunc_end2:
_tile_overlayer_lowered:
.L_overlay_start_2:
0x45: {  	(tag) =	ssettag $0x2  }
0x46: {  	s0 =	rddreg [dreg:$0x0];
	s2 =	stileid.u32  }
0x47: {  	s1 =	rddreg [dreg:$0x1];
	p0 =	sne.s32 s2, $0x0  }
0x48: {  	s3 =	rddreg [dreg:$0x2];
	[bflag:$0x3] =	sbarrier.arrive $0xFFFF;
	s2 =	simm.s32 @!p0 $0x1C01  }
0x49: {  	[timem:s3], [sflag:s2] =	dma.local @!p0 [hbm:s0], s1  }
0x4a: {  	s0 =	simm.s32 @!p0 $0x1  }
0x4b: {  	_ =	swait.ge @!p0 [sflag:s0], s1  }
0x4c: {  	s1 =	ssub.s32 @!p0 $0x0, s1;
	[sflag:s0] =	ssyncset.done @!p0 $0x0  }
0x4d: {  	[sflag:s0] =	ssyncadd.s32 @!p0 s1  }
0x4e: {  	[bflag:$0x3] =	sbarrier.arrive $0xFFFF  }
0x4f: {  	_ =	shalt  }

</sc_bundles>
